<compile_context>
chip_gen: v7x
topology: tpu7x:2x2x1
jax: 0.10.2.dev20260603
libtpu: 0.0.44.dev20260713+nightly
codegen_flags: <defaults>
</compile_context>

<pallas_src>
import functools

import jax
import jax.numpy as jnp
from jax import lax
from jax.experimental import pallas as pl
from jax.experimental.pallas import tpu as pltpu
from jax.experimental.pallas import tpu_sc as plsc

D_EMBED = 64
SCALE = 8.0

_INFO = plsc.get_sparse_core_info()
_NC, _NS, _L = _INFO.num_cores, _INFO.num_subcores, _INFO.num_lanes
_NW = _NC * _NS

IDX_ROW = 128
K = 2
NBUF = 4
UNROLL = 4


@functools.lru_cache(maxsize=None)
def _make_kernel(n_idx_rows: int):
    rows_per_w = n_idx_rows // _NW
    n_groups = rows_per_w // K
    C = K * IDX_ROW

    mesh = plsc.VectorSubcoreMesh(core_axis_name="c", subcore_axis_name="s")

    scratch = (
        [pltpu.VMEM((rows_per_w, IDX_ROW), jnp.int32)]
        + [pltpu.VMEM((C, D_EMBED), jnp.float32) for _ in range(NBUF)]
        + [pltpu.SemaphoreType.DMA for _ in range(2 * NBUF)]
    )

    @functools.partial(
        pl.kernel,
        mesh=mesh,
        out_type=jax.ShapeDtypeStruct((n_idx_rows * IDX_ROW, D_EMBED),
                                      jnp.float32),
        scratch_types=scratch,
        compiler_params=pltpu.CompilerParams(use_tc_tiling_on_sc=False),
    )
    def emb_kernel(table_hbm, idx_hbm, out_hbm, idx_all, *scr):
        row_bufs = scr[:NBUF]
        gsems = scr[NBUF:2 * NBUF]
        osems = scr[2 * NBUF:3 * NBUF]

        wid = lax.axis_index("s") * _NC + lax.axis_index("c")
        row0 = wid * rows_per_w

        pltpu.sync_copy(idx_hbm.at[pl.ds(row0, rows_per_w)], idx_all)

        def start_group(g, b):
            for j in range(K):
                pltpu.async_copy(
                    table_hbm.at[idx_all.at[g * K + j]],
                    row_bufs[b].at[pl.ds(j * IDX_ROW, IDX_ROW)],
                    gsems[b],
                )

        def drain_gather(b):
            pltpu.make_async_copy(
                table_hbm.at[pl.ds(0, C)], row_bufs[b], gsems[b]).wait()

        def drain_out(b):
            pltpu.make_async_copy(
                row_bufs[b], out_hbm.at[pl.ds(0, C)], osems[b]).wait()

        def scale(b):
            rows_v = row_bufs[b]

            @plsc.parallel_loop(0, C, unroll=UNROLL)
            def _(i):
                for j in range(D_EMBED // _L):
                    sl = pl.ds(j * _L, _L)
                    rows_v[i, sl] = rows_v[i, sl] * SCALE

        start_group(0, 0)

        def outer(i0, carry):
            for b in range(NBUF):
                g = i0 * NBUF + b
                nb = (b + 1) % NBUF
                nxt = g + 1

                @pl.when(nxt < n_groups)
                def _():
                    @pl.when(g >= NBUF - 1)
                    def _():
                        drain_out(nb)

                    start_group(nxt, nb)

                drain_gather(b)
                scale(b)
                pltpu.async_copy(
                    row_bufs[b],
                    out_hbm.at[pl.ds((row0 + g * K) * IDX_ROW, C)],
                    osems[b],
                )
            return carry

        lax.fori_loop(0, n_groups // NBUF, outer, 0)

        for g in range(n_groups - NBUF, n_groups):
            drain_out(g % NBUF)

    return emb_kernel


def kernel(x, emb_tab):
    b0, b1 = x.shape
    n = b0 * b1
    idx2 = x.astype(jnp.int32).reshape(n // IDX_ROW, IDX_ROW)
    out = _make_kernel(n // IDX_ROW)(emb_tab, idx2)
    return out.reshape(b0, b1, D_EMBED)

# --- scband reference (transcript-rebuilt; emitter-appended) ---
"""Pipeline reference for scband-word-embedding-86552180949684 (READ-ONLY COPY).

The authoritative reference and input builder live on the scoring server;
editing this copy changes nothing except your own understanding.
"""

import jax, jax.numpy as jnp
import numpy as np
import math

D_EMBED = 64
VOCAB_SIZE = 1000000

def setup_inputs(seed: int = 0) -> dict:
    key = jax.random.key(seed)
    k_idx, k_tab = jax.random.split(key)
    x = jax.random.randint(k_idx, (4096, 200), 0, VOCAB_SIZE, dtype=jnp.int64 if jax.config.jax_enable_x64 else jnp.int32)
    emb_tab = jax.random.normal(k_tab, (VOCAB_SIZE, D_EMBED), dtype=jnp.float32)
    return {"x": x, "emb_tab": emb_tab}

def reference(x, emb_tab):
    # WordEmbedding.forward: emb_tab(x) * sqrt(d_embed)
    out = jnp.take(emb_tab, x, axis=0) * math.sqrt(D_EMBED)
    return out

if __name__ == "__main__":
    import jax
    _d = setup_inputs()
    print(jax.jit(kernel)(*tuple(_d.values())))

</pallas_src>

<mosaic_0001>
#map = affine_map<(d0, d1) -> (0, 0)>
module attributes {stable_mosaic.version = 14 : i64} {
  func.func @emb_kernel(%arg0: i32, %arg1: i32, %arg2: memref<1000000x64xf32, #tpu.memory_space<hbm>>, %arg3: memref<6400x128xi32, #tpu.memory_space<hbm>>, %arg4: memref<819200x64xf32, #tpu.memory_space<hbm>>, %arg5: memref<200x128xi32, #tpu.memory_space<vmem>>, %arg6: memref<256x64xf32, #tpu.memory_space<vmem>>, %arg7: memref<256x64xf32, #tpu.memory_space<vmem>>, %arg8: memref<256x64xf32, #tpu.memory_space<vmem>>, %arg9: memref<256x64xf32, #tpu.memory_space<vmem>>, %arg10: memref<!tpu.dma_semaphore, #tpu.memory_space<semaphore_mem>>, %arg11: memref<!tpu.dma_semaphore, #tpu.memory_space<semaphore_mem>>, %arg12: memref<!tpu.dma_semaphore, #tpu.memory_space<semaphore_mem>>, %arg13: memref<!tpu.dma_semaphore, #tpu.memory_space<semaphore_mem>>, %arg14: memref<!tpu.dma_semaphore, #tpu.memory_space<semaphore_mem>>, %arg15: memref<!tpu.dma_semaphore, #tpu.memory_space<semaphore_mem>>, %arg16: memref<!tpu.dma_semaphore, #tpu.memory_space<semaphore_mem>>, %arg17: memref<!tpu.dma_semaphore, #tpu.memory_space<semaphore_mem>>) attributes {dimension_semantics = [#tpu.dimension_semantics<core_parallel>, #tpu.dimension_semantics<subcore_parallel>], iteration_bounds = array<i64: 2, 16>, scalar_prefetch = 0 : i64, scratch_operands = 13 : i64, tpu.core_type = #tpu.core_type<sc_vector_subcore>, window_params = [{transform_indices = #map}, {transform_indices = #map}, {transform_indices = #map}]} {
    %mul3A = arith.constant 2 : i32
    %mul3A_0 = arith.muli %arg1, %mul3A : i32
    %add3A = arith.addi %mul3A_0, %arg0 : i32
    %mul3A_1 = arith.constant 200 : i32
    %mul3A_2 = arith.muli %add3A, %mul3A_1 : i32
    "tpu.region"() ({
      %run_scoped3A = tpu.sem_alloc : memref<!tpu.dma_semaphore, #tpu.memory_space<semaphore_mem>>
      %dma_start3A_50 = arith.constant 0 : i32
      %dma_start3A_51 = tpu.memref_slice %arg3[%mul3A_2, %dma_start3A_50] : memref<6400x128xi32, #tpu.memory_space<hbm>> -> memref<200x128xi32, #tpu.memory_space<hbm>>
      %dma_start3A_52 = arith.constant 0 : i32
      %dma_start3A_53 = tpu.memref_slice %arg3[%mul3A_2, %dma_start3A_52] : memref<6400x128xi32, #tpu.memory_space<hbm>> -> memref<200x128xi32, #tpu.memory_space<hbm>>
      tpu.enqueue_dma source(%dma_start3A_53 : memref<200x128xi32, #tpu.memory_space<hbm>>) target(%arg5 : memref<200x128xi32, #tpu.memory_space<vmem>>) target_semaphore(%run_scoped3A : memref<!tpu.dma_semaphore, #tpu.memory_space<semaphore_mem>>)
      %dma_wait3A_54 = arith.constant 0 : i32
      %dma_wait3A_55 = tpu.memref_slice %arg3[%mul3A_2, %dma_wait3A_54] : memref<6400x128xi32, #tpu.memory_space<hbm>> -> memref<200x128xi32, #tpu.memory_space<hbm>>
      %dma_wait3A_56 = arith.constant 0 : i32
      %dma_wait3A_57 = tpu.memref_slice %arg3[%mul3A_2, %dma_wait3A_56] : memref<6400x128xi32, #tpu.memory_space<hbm>> -> memref<200x128xi32, #tpu.memory_space<hbm>>
      tpu.wait_dma2 semaphore(%run_scoped3A : memref<!tpu.dma_semaphore, #tpu.memory_space<semaphore_mem>>) src(%dma_wait3A_57 : memref<200x128xi32, #tpu.memory_space<hbm>>) dst(%arg5 : memref<200x128xi32, #tpu.memory_space<vmem>>)
      tpu.yield
    }) : () -> ()
    %dma_start3A = arith.constant 0 : i32
    %dma_start3A_3 = arith.constant 0 : i32
    %dma_start3A_4 = arith.constant 0 : i32
    %dma_start3A_5 = tpu.memref_slice %arg6[%dma_start3A_3, %dma_start3A_4] : memref<256x64xf32, #tpu.memory_space<vmem>> -> memref<128x64xf32, #tpu.memory_space<vmem>>
    %dma_start3A_6 = arith.constant 0 : i32
    %dma_start3A_7 = tpu.memref_slice %arg5[%dma_start3A, %dma_start3A_6] : memref<200x128xi32, #tpu.memory_space<vmem>> -> memref<1x128xi32, #tpu.memory_space<vmem>>
    %dma_start3A_8 = tpu.memref_squeeze %dma_start3A_7 : memref<1x128xi32, #tpu.memory_space<vmem>> -> memref<128xi32, #tpu.memory_space<vmem>>
    %dma_start3A_9 = arith.constant 0 : i32
    %dma_start3A_10 = arith.constant 0 : i32
    %dma_start3A_11 = tpu.memref_slice %arg2[%dma_start3A_9, %dma_start3A_10] : memref<1000000x64xf32, #tpu.memory_space<hbm>> -> memref<1000000x64xf32, #tpu.memory_space<hbm>>
    tpu.enqueue_indirect_dma source(%dma_start3A_11 : memref<1000000x64xf32, #tpu.memory_space<hbm>>) target(%dma_start3A_5 : memref<128x64xf32, #tpu.memory_space<vmem>>) offsets(%dma_start3A_8 : memref<128xi32, #tpu.memory_space<vmem>>) semaphore(%arg10 : memref<!tpu.dma_semaphore, #tpu.memory_space<semaphore_mem>>)
    %dma_start3A_12 = arith.constant 1 : i32
    %dma_start3A_13 = arith.constant 128 : i32
    %dma_start3A_14 = arith.constant 0 : i32
    %dma_start3A_15 = tpu.memref_slice %arg6[%dma_start3A_13, %dma_start3A_14] : memref<256x64xf32, #tpu.memory_space<vmem>> -> memref<128x64xf32, #tpu.memory_space<vmem>>
    %dma_start3A_16 = arith.constant 0 : i32
    %dma_start3A_17 = tpu.memref_slice %arg5[%dma_start3A_12, %dma_start3A_16] : memref<200x128xi32, #tpu.memory_space<vmem>> -> memref<1x128xi32, #tpu.memory_space<vmem>>
    %dma_start3A_18 = tpu.memref_squeeze %dma_start3A_17 : memref<1x128xi32, #tpu.memory_space<vmem>> -> memref<128xi32, #tpu.memory_space<vmem>>
    %dma_start3A_19 = arith.constant 0 : i32
    %dma_start3A_20 = arith.constant 0 : i32
    %dma_start3A_21 = tpu.memref_slice %arg2[%dma_start3A_19, %dma_start3A_20] : memref<1000000x64xf32, #tpu.memory_space<hbm>> -> memref<1000000x64xf32, #tpu.memory_space<hbm>>
    tpu.enqueue_indirect_dma source(%dma_start3A_21 : memref<1000000x64xf32, #tpu.memory_space<hbm>>) target(%dma_start3A_15 : memref<128x64xf32, #tpu.memory_space<vmem>>) offsets(%dma_start3A_18 : memref<128xi32, #tpu.memory_space<vmem>>) semaphore(%arg10 : memref<!tpu.dma_semaphore, #tpu.memory_space<semaphore_mem>>)
    %scan3A = arith.constant 0 : i32
    %scan3A_22 = arith.constant 0 : i32
    %scan3A_23 = arith.constant 25 : i32
    %scan3A_24 = arith.addi %scan3A_22, %scan3A_23 : i32
    %scan3A_25 = arith.constant 1 : i32
    scf.for %scan3A_50 = %scan3A_22 to %scan3A_24 step %scan3A_25  : i32 {
      %mul3A_51 = arith.constant 4 : i32
      %mul3A_52 = arith.muli %scan3A_50, %mul3A_51 : i32
      %add3A_53 = arith.constant 0 : i32
      %add3A_54 = arith.addi %mul3A_52, %add3A_53 : i32
      %add3A_55 = arith.constant 1 : i32
      %add3A_56 = arith.addi %add3A_54, %add3A_55 : i32
      %lt3A = arith.constant 100 : i32
      %lt3A_57 = arith.cmpi slt, %add3A_56, %lt3A : i32
      %convert_element_type3A = arith.extui %lt3A_57 : i1 to i32
      %cond3A = arith.constant 0 : i32
      %cond3A_58 = arith.cmpi ne, %convert_element_type3A, %cond3A : i32
      scf.if %cond3A_58 {
        %ge3A = arith.constant 3 : i32
        %ge3A_163 = arith.cmpi sge, %add3A_54, %ge3A : i32
        %convert_element_type3A_164 = arith.extui %ge3A_163 : i1 to i32
        %cond3A_165 = arith.constant 0 : i32
        %cond3A_166 = arith.cmpi ne, %convert_element_type3A_164, %cond3A_165 : i32
        scf.if %cond3A_166 {
          %dma_wait3A_193 = arith.constant 0 : i32
          %dma_wait3A_194 = arith.constant 0 : i32
          %dma_wait3A_195 = tpu.memref_slice %arg4[%dma_wait3A_193, %dma_wait3A_194] : memref<819200x64xf32, #tpu.memory_space<hbm>> -> memref<256x64xf32, #tpu.memory_space<hbm>>
          %dma_wait3A_196 = arith.constant 0 : i32
          %dma_wait3A_197 = arith.constant 0 : i32
          %dma_wait3A_198 = tpu.memref_slice %arg4[%dma_wait3A_196, %dma_wait3A_197] : memref<819200x64xf32, #tpu.memory_space<hbm>> -> memref<256x64xf32, #tpu.memory_space<hbm>>
          tpu.wait_dma2 semaphore(%arg15 : memref<!tpu.dma_semaphore, #tpu.memory_space<semaphore_mem>>) src(%arg7 : memref<256x64xf32, #tpu.memory_space<vmem>>) dst(%dma_wait3A_198 : memref<256x64xf32, #tpu.memory_space<hbm>>)
        } else {
        }
        %mul3A_167 = arith.constant 2 : i32
        %mul3A_168 = arith.muli %add3A_56, %mul3A_167 : i32
        %add3A_169 = arith.constant 0 : i32
        %add3A_170 = arith.addi %mul3A_168, %add3A_169 : i32
        %dma_start3A_171 = arith.constant 0 : i32
        %dma_start3A_172 = arith.constant 0 : i32
        %dma_start3A_173 = tpu.memref_slice %arg7[%dma_start3A_171, %dma_start3A_172] : memref<256x64xf32, #tpu.memory_space<vmem>> -> memref<128x64xf32, #tpu.memory_space<vmem>>
        %dma_start3A_174 = arith.constant 0 : i32
        %dma_start3A_175 = tpu.memref_slice %arg5[%add3A_170, %dma_start3A_174] : memref<200x128xi32, #tpu.memory_space<vmem>> -> memref<1x128xi32, #tpu.memory_space<vmem>>
        %dma_start3A_176 = tpu.memref_squeeze %dma_start3A_175 : memref<1x128xi32, #tpu.memory_space<vmem>> -> memref<128xi32, #tpu.memory_space<vmem>>
        %dma_start3A_177 = arith.constant 0 : i32
        %dma_start3A_178 = arith.constant 0 : i32
        %dma_start3A_179 = tpu.memref_slice %arg2[%dma_start3A_177, %dma_start3A_178] : memref<1000000x64xf32, #tpu.memory_space<hbm>> -> memref<1000000x64xf32, #tpu.memory_space<hbm>>
        tpu.enqueue_indirect_dma source(%dma_start3A_179 : memref<1000000x64xf32, #tpu.memory_space<hbm>>) target(%dma_start3A_173 : memref<128x64xf32, #tpu.memory_space<vmem>>) offsets(%dma_start3A_176 : memref<128xi32, #tpu.memory_space<vmem>>) semaphore(%arg11 : memref<!tpu.dma_semaphore, #tpu.memory_space<semaphore_mem>>)
        %mul3A_180 = arith.constant 2 : i32
        %mul3A_181 = arith.muli %add3A_56, %mul3A_180 : i32
        %add3A_182 = arith.constant 1 : i32
        %add3A_183 = arith.addi %mul3A_181, %add3A_182 : i32
        %dma_start3A_184 = arith.constant 128 : i32
        %dma_start3A_185 = arith.constant 0 : i32
        %dma_start3A_186 = tpu.memref_slice %arg7[%dma_start3A_184, %dma_start3A_185] : memref<256x64xf32, #tpu.memory_space<vmem>> -> memref<128x64xf32, #tpu.memory_space<vmem>>
        %dma_start3A_187 = arith.constant 0 : i32
        %dma_start3A_188 = tpu.memref_slice %arg5[%add3A_183, %dma_start3A_187] : memref<200x128xi32, #tpu.memory_space<vmem>> -> memref<1x128xi32, #tpu.memory_space<vmem>>
        %dma_start3A_189 = tpu.memref_squeeze %dma_start3A_188 : memref<1x128xi32, #tpu.memory_space<vmem>> -> memref<128xi32, #tpu.memory_space<vmem>>
        %dma_start3A_190 = arith.constant 0 : i32
        %dma_start3A_191 = arith.constant 0 : i32
        %dma_start3A_192 = tpu.memref_slice %arg2[%dma_start3A_190, %dma_start3A_191] : memref<1000000x64xf32, #tpu.memory_space<hbm>> -> memref<1000000x64xf32, #tpu.memory_space<hbm>>
        tpu.enqueue_indirect_dma source(%dma_start3A_192 : memref<1000000x64xf32, #tpu.memory_space<hbm>>) target(%dma_start3A_186 : memref<128x64xf32, #tpu.memory_space<vmem>>) offsets(%dma_start3A_189 : memref<128xi32, #tpu.memory_space<vmem>>) semaphore(%arg11 : memref<!tpu.dma_semaphore, #tpu.memory_space<semaphore_mem>>)
      } else {
      }
      %dma_wait3A_59 = arith.constant 0 : i32
      %dma_wait3A_60 = arith.constant 0 : i32
      %dma_wait3A_61 = tpu.memref_slice %arg2[%dma_wait3A_59, %dma_wait3A_60] : memref<1000000x64xf32, #tpu.memory_space<hbm>> -> memref<256x64xf32, #tpu.memory_space<hbm>>
      %dma_wait3A_62 = arith.constant 0 : i32
      %dma_wait3A_63 = arith.constant 0 : i32
      %dma_wait3A_64 = tpu.memref_slice %arg2[%dma_wait3A_62, %dma_wait3A_63] : memref<1000000x64xf32, #tpu.memory_space<hbm>> -> memref<256x64xf32, #tpu.memory_space<hbm>>
      tpu.wait_dma2 semaphore(%arg10 : memref<!tpu.dma_semaphore, #tpu.memory_space<semaphore_mem>>) src(%dma_wait3A_64 : memref<256x64xf32, #tpu.memory_space<hbm>>) dst(%arg6 : memref<256x64xf32, #tpu.memory_space<vmem>>)
      %parallel_loop3A = arith.constant 0 : i32
      %parallel_loop3A_65 = arith.constant 256 : i32
      %parallel_loop3A_66 = arith.constant 1 : i32
      scf.for %parallel_loop3A_163 = %parallel_loop3A to %parallel_loop3A_65 step %parallel_loop3A_66  : i32 {
        %parallel_loop3A_164 = arith.index_cast %parallel_loop3A_163 : i32 to index
        %parallel_loop3A_165 = arith.constant 0 : index
        %parallel_loop3A_166 = tpu.vector_load %arg6[%parallel_loop3A_164, %parallel_loop3A_165] {strides = array<i32>} : memref<256x64xf32, #tpu.memory_space<vmem>>, vector<1x16xf32>,
        %parallel_loop3A_167 = vector.shape_cast %parallel_loop3A_166 : vector<1x16xf32> to vector<16xf32>
        %parallel_loop3A_168 = arith.constant 8.000000e+00 : f32
        %parallel_loop3A_169 = vector.broadcast %parallel_loop3A_168 : f32 to vector<16xf32>
        %parallel_loop3A_170 = arith.mulf %parallel_loop3A_167, %parallel_loop3A_169 : vector<16xf32>
        %parallel_loop3A_171 = arith.index_cast %parallel_loop3A_163 : i32 to index
        %parallel_loop3A_172 = arith.constant 0 : index
        %parallel_loop3A_173 = tpu.vector_load %arg6[%parallel_loop3A_171, %parallel_loop3A_172] {strides = array<i32>} : memref<256x64xf32, #tpu.memory_space<vmem>>, vector<1x16xf32>,
        %parallel_loop3A_174 = vector.shape_cast %parallel_loop3A_173 : vector<1x16xf32> to vector<16xf32>
        %parallel_loop3A_175 = vector.shape_cast %parallel_loop3A_170 : vector<16xf32> to vector<1x16xf32>
        tpu.vector_store %arg6[%parallel_loop3A_171, %parallel_loop3A_172], %parallel_loop3A_175 {strides = array<i32>} : memref<256x64xf32, #tpu.memory_space<vmem>>, vector<1x16xf32>,
        %parallel_loop3A_176 = arith.index_cast %parallel_loop3A_163 : i32 to index
        %parallel_loop3A_177 = arith.constant 16 : index
        %parallel_loop3A_178 = tpu.vector_load %arg6[%parallel_loop3A_176, %parallel_loop3A_177] {strides = array<i32>} : memref<256x64xf32, #tpu.memory_space<vmem>>, vector<1x16xf32>,
        %parallel_loop3A_179 = vector.shape_cast %parallel_loop3A_178 : vector<1x16xf32> to vector<16xf32>
        %parallel_loop3A_180 = arith.constant 8.000000e+00 : f32
        %parallel_loop3A_181 = vector.broadcast %parallel_loop3A_180 : f32 to vector<16xf32>
        %parallel_loop3A_182 = arith.mulf %parallel_loop3A_179, %parallel_loop3A_181 : vector<16xf32>
        %parallel_loop3A_183 = arith.index_cast %parallel_loop3A_163 : i32 to index
        %parallel_loop3A_184 = arith.constant 16 : index
        %parallel_loop3A_185 = tpu.vector_load %arg6[%parallel_loop3A_183, %parallel_loop3A_184] {strides = array<i32>} : memref<256x64xf32, #tpu.memory_space<vmem>>, vector<1x16xf32>,
        %parallel_loop3A_186 = vector.shape_cast %parallel_loop3A_185 : vector<1x16xf32> to vector<16xf32>
        %parallel_loop3A_187 = vector.shape_cast %parallel_loop3A_182 : vector<16xf32> to vector<1x16xf32>
        tpu.vector_store %arg6[%parallel_loop3A_183, %parallel_loop3A_184], %parallel_loop3A_187 {strides = array<i32>} : memref<256x64xf32, #tpu.memory_space<vmem>>, vector<1x16xf32>,
        %parallel_loop3A_188 = arith.index_cast %parallel_loop3A_163 : i32 to index
        %parallel_loop3A_189 = arith.constant 32 : index
        %parallel_loop3A_190 = tpu.vector_load %arg6[%parallel_loop3A_188, %parallel_loop3A_189] {strides = array<i32>} : memref<256x64xf32, #tpu.memory_space<vmem>>, vector<1x16xf32>,
        %parallel_loop3A_191 = vector.shape_cast %parallel_loop3A_190 : vector<1x16xf32> to vector<16xf32>
        %parallel_loop3A_192 = arith.constant 8.000000e+00 : f32
        %parallel_loop3A_193 = vector.broadcast %parallel_loop3A_192 : f32 to vector<16xf32>
        %parallel_loop3A_194 = arith.mulf %parallel_loop3A_191, %parallel_loop3A_193 : vector<16xf32>
        %parallel_loop3A_195 = arith.index_cast %parallel_loop3A_163 : i32 to index
        %parallel_loop3A_196 = arith.constant 32 : index
        %parallel_loop3A_197 = tpu.vector_load %arg6[%parallel_loop3A_195, %parallel_loop3A_196] {strides = array<i32>} : memref<256x64xf32, #tpu.memory_space<vmem>>, vector<1x16xf32>,
        %parallel_loop3A_198 = vector.shape_cast %parallel_loop3A_197 : vector<1x16xf32> to vector<16xf32>
        %parallel_loop3A_199 = vector.shape_cast %parallel_loop3A_194 : vector<16xf32> to vector<1x16xf32>
        tpu.vector_store %arg6[%parallel_loop3A_195, %parallel_loop3A_196], %parallel_loop3A_199 {strides = array<i32>} : memref<256x64xf32, #tpu.memory_space<vmem>>, vector<1x16xf32>,
        %parallel_loop3A_200 = arith.index_cast %parallel_loop3A_163 : i32 to index
        %parallel_loop3A_201 = arith.constant 48 : index
        %parallel_loop3A_202 = tpu.vector_load %arg6[%parallel_loop3A_200, %parallel_loop3A_201] {strides = array<i32>} : memref<256x64xf32, #tpu.memory_space<vmem>>, vector<1x16xf32>,
        %parallel_loop3A_203 = vector.shape_cast %parallel_loop3A_202 : vector<1x16xf32> to vector<16xf32>
        %parallel_loop3A_204 = arith.constant 8.000000e+00 : f32
        %parallel_loop3A_205 = vector.broadcast %parallel_loop3A_204 : f32 to vector<16xf32>
        %parallel_loop3A_206 = arith.mulf %parallel_loop3A_203, %parallel_loop3A_205 : vector<16xf32>
        %parallel_loop3A_207 = arith.index_cast %parallel_loop3A_163 : i32 to index
        %parallel_loop3A_208 = arith.constant 48 : index
        %parallel_loop3A_209 = tpu.vector_load %arg6[%parallel_loop3A_207, %parallel_loop3A_208] {strides = array<i32>} : memref<256x64xf32, #tpu.memory_space<vmem>>, vector<1x16xf32>,
        %parallel_loop3A_210 = vector.shape_cast %parallel_loop3A_209 : vector<1x16xf32> to vector<16xf32>
        %parallel_loop3A_211 = vector.shape_cast %parallel_loop3A_206 : vector<16xf32> to vector<1x16xf32>
        tpu.vector_store %arg6[%parallel_loop3A_207, %parallel_loop3A_208], %parallel_loop3A_211 {strides = array<i32>} : memref<256x64xf32, #tpu.memory_space<vmem>>, vector<1x16xf32>,
      } {sc.loop_unroll_factor = 4 : i64, sc.parallel_access}
      %mul3A_67 = arith.constant 2 : i32
      %mul3A_68 = arith.muli %add3A_54, %mul3A_67 : i32
      %add3A_69 = arith.addi %mul3A_2, %mul3A_68 : i32
      %mul3A_70 = arith.constant 128 : i32
      %mul3A_71 = arith.muli %add3A_69, %mul3A_70 : i32
      %dma_start3A_72 = arith.constant 0 : i32
      %dma_start3A_73 = tpu.memref_slice %arg4[%mul3A_71, %dma_start3A_72] : memref<819200x64xf32, #tpu.memory_space<hbm>> -> memref<256x64xf32, #tpu.memory_space<hbm>>
      %dma_start3A_74 = arith.constant 0 : i32
      %dma_start3A_75 = tpu.memref_slice %arg4[%mul3A_71, %dma_start3A_74] : memref<819200x64xf32, #tpu.memory_space<hbm>> -> memref<256x64xf32, #tpu.memory_space<hbm>>
      tpu.enqueue_dma source(%arg6 : memref<256x64xf32, #tpu.memory_space<vmem>>) target(%dma_start3A_75 : memref<256x64xf32, #tpu.memory_space<hbm>>) target_semaphore(%arg14 : memref<!tpu.dma_semaphore, #tpu.memory_space<semaphore_mem>>)
      %mul3A_76 = arith.constant 4 : i32
      %mul3A_77 = arith.muli %scan3A_50, %mul3A_76 : i32
      %add3A_78 = arith.constant 1 : i32
      %add3A_79 = arith.addi %mul3A_77, %add3A_78 : i32
      %add3A_80 = arith.constant 1 : i32
      %add3A_81 = arith.addi %add3A_79, %add3A_80 : i32
      %lt3A_82 = arith.constant 100 : i32
      %lt3A_83 = arith.cmpi slt, %add3A_81, %lt3A_82 : i32
      %convert_element_type3A_84 = arith.extui %lt3A_83 : i1 to i32
      %cond3A_85 = arith.constant 0 : i32
      %cond3A_86 = arith.cmpi ne, %convert_element_type3A_84, %cond3A_85 : i32
      scf.if %cond3A_86 {
        %ge3A = arith.constant 3 : i32
        %ge3A_163 = arith.cmpi sge, %add3A_79, %ge3A : i32
        %convert_element_type3A_164 = arith.extui %ge3A_163 : i1 to i32
        %cond3A_165 = arith.constant 0 : i32
        %cond3A_166 = arith.cmpi ne, %convert_element_type3A_164, %cond3A_165 : i32
        scf.if %cond3A_166 {
          %dma_wait3A_193 = arith.constant 0 : i32
          %dma_wait3A_194 = arith.constant 0 : i32
          %dma_wait3A_195 = tpu.memref_slice %arg4[%dma_wait3A_193, %dma_wait3A_194] : memref<819200x64xf32, #tpu.memory_space<hbm>> -> memref<256x64xf32, #tpu.memory_space<hbm>>
          %dma_wait3A_196 = arith.constant 0 : i32
          %dma_wait3A_197 = arith.constant 0 : i32
          %dma_wait3A_198 = tpu.memref_slice %arg4[%dma_wait3A_196, %dma_wait3A_197] : memref<819200x64xf32, #tpu.memory_space<hbm>> -> memref<256x64xf32, #tpu.memory_space<hbm>>
          tpu.wait_dma2 semaphore(%arg16 : memref<!tpu.dma_semaphore, #tpu.memory_space<semaphore_mem>>) src(%arg8 : memref<256x64xf32, #tpu.memory_space<vmem>>) dst(%dma_wait3A_198 : memref<256x64xf32, #tpu.memory_space<hbm>>)
        } else {
        }
        %mul3A_167 = arith.constant 2 : i32
        %mul3A_168 = arith.muli %add3A_81, %mul3A_167 : i32
        %add3A_169 = arith.constant 0 : i32
        %add3A_170 = arith.addi %mul3A_168, %add3A_169 : i32
        %dma_start3A_171 = arith.constant 0 : i32
        %dma_start3A_172 = arith.constant 0 : i32
        %dma_start3A_173 = tpu.memref_slice %arg8[%dma_start3A_171, %dma_start3A_172] : memref<256x64xf32, #tpu.memory_space<vmem>> -> memref<128x64xf32, #tpu.memory_space<vmem>>
        %dma_start3A_174 = arith.constant 0 : i32
        %dma_start3A_175 = tpu.memref_slice %arg5[%add3A_170, %dma_start3A_174] : memref<200x128xi32, #tpu.memory_space<vmem>> -> memref<1x128xi32, #tpu.memory_space<vmem>>
        %dma_start3A_176 = tpu.memref_squeeze %dma_start3A_175 : memref<1x128xi32, #tpu.memory_space<vmem>> -> memref<128xi32, #tpu.memory_space<vmem>>
        %dma_start3A_177 = arith.constant 0 : i32
        %dma_start3A_178 = arith.constant 0 : i32
        %dma_start3A_179 = tpu.memref_slice %arg2[%dma_start3A_177, %dma_start3A_178] : memref<1000000x64xf32, #tpu.memory_space<hbm>> -> memref<1000000x64xf32, #tpu.memory_space<hbm>>
        tpu.enqueue_indirect_dma source(%dma_start3A_179 : memref<1000000x64xf32, #tpu.memory_space<hbm>>) target(%dma_start3A_173 : memref<128x64xf32, #tpu.memory_space<vmem>>) offsets(%dma_start3A_176 : memref<128xi32, #tpu.memory_space<vmem>>) semaphore(%arg12 : memref<!tpu.dma_semaphore, #tpu.memory_space<semaphore_mem>>)
        %mul3A_180 = arith.constant 2 : i32
        %mul3A_181 = arith.muli %add3A_81, %mul3A_180 : i32
        %add3A_182 = arith.constant 1 : i32
        %add3A_183 = arith.addi %mul3A_181, %add3A_182 : i32
        %dma_start3A_184 = arith.constant 128 : i32
        %dma_start3A_185 = arith.constant 0 : i32
        %dma_start3A_186 = tpu.memref_slice %arg8[%dma_start3A_184, %dma_start3A_185] : memref<256x64xf32, #tpu.memory_space<vmem>> -> memref<128x64xf32, #tpu.memory_space<vmem>>
        %dma_start3A_187 = arith.constant 0 : i32
        %dma_start3A_188 = tpu.memref_slice %arg5[%add3A_183, %dma_start3A_187] : memref<200x128xi32, #tpu.memory_space<vmem>> -> memref<1x128xi32, #tpu.memory_space<vmem>>
        %dma_start3A_189 = tpu.memref_squeeze %dma_start3A_188 : memref<1x128xi32, #tpu.memory_space<vmem>> -> memref<128xi32, #tpu.memory_space<vmem>>
        %dma_start3A_190 = arith.constant 0 : i32
        %dma_start3A_191 = arith.constant 0 : i32
        %dma_start3A_192 = tpu.memref_slice %arg2[%dma_start3A_190, %dma_start3A_191] : memref<1000000x64xf32, #tpu.memory_space<hbm>> -> memref<1000000x64xf32, #tpu.memory_space<hbm>>
        tpu.enqueue_indirect_dma source(%dma_start3A_192 : memref<1000000x64xf32, #tpu.memory_space<hbm>>) target(%dma_start3A_186 : memref<128x64xf32, #tpu.memory_space<vmem>>) offsets(%dma_start3A_189 : memref<128xi32, #tpu.memory_space<vmem>>) semaphore(%arg12 : memref<!tpu.dma_semaphore, #tpu.memory_space<semaphore_mem>>)
      } else {
      }
      %dma_wait3A_87 = arith.constant 0 : i32
      %dma_wait3A_88 = arith.constant 0 : i32
      %dma_wait3A_89 = tpu.memref_slice %arg2[%dma_wait3A_87, %dma_wait3A_88] : memref<1000000x64xf32, #tpu.memory_space<hbm>> -> memref<256x64xf32, #tpu.memory_space<hbm>>
      %dma_wait3A_90 = arith.constant 0 : i32
      %dma_wait3A_91 = arith.constant 0 : i32
      %dma_wait3A_92 = tpu.memref_slice %arg2[%dma_wait3A_90, %dma_wait3A_91] : memref<1000000x64xf32, #tpu.memory_space<hbm>> -> memref<256x64xf32, #tpu.memory_space<hbm>>
      tpu.wait_dma2 semaphore(%arg11 : memref<!tpu.dma_semaphore, #tpu.memory_space<semaphore_mem>>) src(%dma_wait3A_92 : memref<256x64xf32, #tpu.memory_space<hbm>>) dst(%arg7 : memref<256x64xf32, #tpu.memory_space<vmem>>)
      %parallel_loop3A_93 = arith.constant 0 : i32
      %parallel_loop3A_94 = arith.constant 256 : i32
      %parallel_loop3A_95 = arith.constant 1 : i32
      scf.for %parallel_loop3A_163 = %parallel_loop3A_93 to %parallel_loop3A_94 step %parallel_loop3A_95  : i32 {
        %parallel_loop3A_164 = arith.index_cast %parallel_loop3A_163 : i32 to index
        %parallel_loop3A_165 = arith.constant 0 : index
        %parallel_loop3A_166 = tpu.vector_load %arg7[%parallel_loop3A_164, %parallel_loop3A_165] {strides = array<i32>} : memref<256x64xf32, #tpu.memory_space<vmem>>, vector<1x16xf32>,
        %parallel_loop3A_167 = vector.shape_cast %parallel_loop3A_166 : vector<1x16xf32> to vector<16xf32>
        %parallel_loop3A_168 = arith.constant 8.000000e+00 : f32
        %parallel_loop3A_169 = vector.broadcast %parallel_loop3A_168 : f32 to vector<16xf32>
        %parallel_loop3A_170 = arith.mulf %parallel_loop3A_167, %parallel_loop3A_169 : vector<16xf32>
        %parallel_loop3A_171 = arith.index_cast %parallel_loop3A_163 : i32 to index
        %parallel_loop3A_172 = arith.constant 0 : index
        %parallel_loop3A_173 = tpu.vector_load %arg7[%parallel_loop3A_171, %parallel_loop3A_172] {strides = array<i32>} : memref<256x64xf32, #tpu.memory_space<vmem>>, vector<1x16xf32>,
        %parallel_loop3A_174 = vector.shape_cast %parallel_loop3A_173 : vector<1x16xf32> to vector<16xf32>
        %parallel_loop3A_175 = vector.shape_cast %parallel_loop3A_170 : vector<16xf32> to vector<1x16xf32>
        tpu.vector_store %arg7[%parallel_loop3A_171, %parallel_loop3A_172], %parallel_loop3A_175 {strides = array<i32>} : memref<256x64xf32, #tpu.memory_space<vmem>>, vector<1x16xf32>,
        %parallel_loop3A_176 = arith.index_cast %parallel_loop3A_163 : i32 to index
        %parallel_loop3A_177 = arith.constant 16 : index
        %parallel_loop3A_178 = tpu.vector_load %arg7[%parallel_loop3A_176, %parallel_loop3A_177] {strides = array<i32>} : memref<256x64xf32, #tpu.memory_space<vmem>>, vector<1x16xf32>,
        %parallel_loop3A_179 = vector.shape_cast %parallel_loop3A_178 : vector<1x16xf32> to vector<16xf32>
        %parallel_loop3A_180 = arith.constant 8.000000e+00 : f32
        %parallel_loop3A_181 = vector.broadcast %parallel_loop3A_180 : f32 to vector<16xf32>
        %parallel_loop3A_182 = arith.mulf %parallel_loop3A_179, %parallel_loop3A_181 : vector<16xf32>
        %parallel_loop3A_183 = arith.index_cast %parallel_loop3A_163 : i32 to index
        %parallel_loop3A_184 = arith.constant 16 : index
        %parallel_loop3A_185 = tpu.vector_load %arg7[%parallel_loop3A_183, %parallel_loop3A_184] {strides = array<i32>} : memref<256x64xf32, #tpu.memory_space<vmem>>, vector<1x16xf32>,
        %parallel_loop3A_186 = vector.shape_cast %parallel_loop3A_185 : vector<1x16xf32> to vector<16xf32>
        %parallel_loop3A_187 = vector.shape_cast %parallel_loop3A_182 : vector<16xf32> to vector<1x16xf32>
        tpu.vector_store %arg7[%parallel_loop3A_183, %parallel_loop3A_184], %parallel_loop3A_187 {strides = array<i32>} : memref<256x64xf32, #tpu.memory_space<vmem>>, vector<1x16xf32>,
        %parallel_loop3A_188 = arith.index_cast %parallel_loop3A_163 : i32 to index
        %parallel_loop3A_189 = arith.constant 32 : index
        %parallel_loop3A_190 = tpu.vector_load %arg7[%parallel_loop3A_188, %parallel_loop3A_189] {strides = array<i32>} : memref<256x64xf32, #tpu.memory_space<vmem>>, vector<1x16xf32>,
        %parallel_loop3A_191 = vector.shape_cast %parallel_loop3A_190 : vector<1x16xf32> to vector<16xf32>
        %parallel_loop3A_192 = arith.constant 8.000000e+00 : f32
        %parallel_loop3A_193 = vector.broadcast %parallel_loop3A_192 : f32 to vector<16xf32>
        %parallel_loop3A_194 = arith.mulf %parallel_loop3A_191, %parallel_loop3A_193 : vector<16xf32>
        %parallel_loop3A_195 = arith.index_cast %parallel_loop3A_163 : i32 to index
        %parallel_loop3A_196 = arith.constant 32 : index
        %parallel_loop3A_197 = tpu.vector_load %arg7[%parallel_loop3A_195, %parallel_loop3A_196] {strides = array<i32>} : memref<256x64xf32, #tpu.memory_space<vmem>>, vector<1x16xf32>,
        %parallel_loop3A_198 = vector.shape_cast %parallel_loop3A_197 : vector<1x16xf32> to vector<16xf32>
        %parallel_loop3A_199 = vector.shape_cast %parallel_loop3A_194 : vector<16xf32> to vector<1x16xf32>
        tpu.vector_store %arg7[%parallel_loop3A_195, %parallel_loop3A_196], %parallel_loop3A_199 {strides = array<i32>} : memref<256x64xf32, #tpu.memory_space<vmem>>, vector<1x16xf32>,
        %parallel_loop3A_200 = arith.index_cast %parallel_loop3A_163 : i32 to index
        %parallel_loop3A_201 = arith.constant 48 : index
        %parallel_loop3A_202 = tpu.vector_load %arg7[%parallel_loop3A_200, %parallel_loop3A_201] {strides = array<i32>} : memref<256x64xf32, #tpu.memory_space<vmem>>, vector<1x16xf32>,
        %parallel_loop3A_203 = vector.shape_cast %parallel_loop3A_202 : vector<1x16xf32> to vector<16xf32>
        %parallel_loop3A_204 = arith.constant 8.000000e+00 : f32
        %parallel_loop3A_205 = vector.broadcast %parallel_loop3A_204 : f32 to vector<16xf32>
        %parallel_loop3A_206 = arith.mulf %parallel_loop3A_203, %parallel_loop3A_205 : vector<16xf32>
        %parallel_loop3A_207 = arith.index_cast %parallel_loop3A_163 : i32 to index
        %parallel_loop3A_208 = arith.constant 48 : index
        %parallel_loop3A_209 = tpu.vector_load %arg7[%parallel_loop3A_207, %parallel_loop3A_208] {strides = array<i32>} : memref<256x64xf32, #tpu.memory_space<vmem>>, vector<1x16xf32>,
        %parallel_loop3A_210 = vector.shape_cast %parallel_loop3A_209 : vector<1x16xf32> to vector<16xf32>
        %parallel_loop3A_211 = vector.shape_cast %parallel_loop3A_206 : vector<16xf32> to vector<1x16xf32>
        tpu.vector_store %arg7[%parallel_loop3A_207, %parallel_loop3A_208], %parallel_loop3A_211 {strides = array<i32>} : memref<256x64xf32, #tpu.memory_space<vmem>>, vector<1x16xf32>,
      } {sc.loop_unroll_factor = 4 : i64, sc.parallel_access}
      %mul3A_96 = arith.constant 2 : i32
      %mul3A_97 = arith.muli %add3A_79, %mul3A_96 : i32
      %add3A_98 = arith.addi %mul3A_2, %mul3A_97 : i32
      %mul3A_99 = arith.constant 128 : i32
      %mul3A_100 = arith.muli %add3A_98, %mul3A_99 : i32
      %dma_start3A_101 = arith.constant 0 : i32
      %dma_start3A_102 = tpu.memref_slice %arg4[%mul3A_100, %dma_start3A_101] : memref<819200x64xf32, #tpu.memory_space<hbm>> -> memref<256x64xf32, #tpu.memory_space<hbm>>
      %dma_start3A_103 = arith.constant 0 : i32
      %dma_start3A_104 = tpu.memref_slice %arg4[%mul3A_100, %dma_start3A_103] : memref<819200x64xf32, #tpu.memory_space<hbm>> -> memref<256x64xf32, #tpu.memory_space<hbm>>
      tpu.enqueue_dma source(%arg7 : memref<256x64xf32, #tpu.memory_space<vmem>>) target(%dma_start3A_104 : memref<256x64xf32, #tpu.memory_space<hbm>>) target_semaphore(%arg15 : memref<!tpu.dma_semaphore, #tpu.memory_space<semaphore_mem>>)
      %mul3A_105 = arith.constant 4 : i32
      %mul3A_106 = arith.muli %scan3A_50, %mul3A_105 : i32
      %add3A_107 = arith.constant 2 : i32
      %add3A_108 = arith.addi %mul3A_106, %add3A_107 : i32
      %add3A_109 = arith.constant 1 : i32
      %add3A_110 = arith.addi %add3A_108, %add3A_109 : i32
      %lt3A_111 = arith.constant 100 : i32
      %lt3A_112 = arith.cmpi slt, %add3A_110, %lt3A_111 : i32
      %convert_element_type3A_113 = arith.extui %lt3A_112 : i1 to i32
      %cond3A_114 = arith.constant 0 : i32
      %cond3A_115 = arith.cmpi ne, %convert_element_type3A_113, %cond3A_114 : i32
      scf.if %cond3A_115 {
        %ge3A = arith.constant 3 : i32
        %ge3A_163 = arith.cmpi sge, %add3A_108, %ge3A : i32
        %convert_element_type3A_164 = arith.extui %ge3A_163 : i1 to i32
        %cond3A_165 = arith.constant 0 : i32
        %cond3A_166 = arith.cmpi ne, %convert_element_type3A_164, %cond3A_165 : i32
        scf.if %cond3A_166 {
          %dma_wait3A_193 = arith.constant 0 : i32
          %dma_wait3A_194 = arith.constant 0 : i32
          %dma_wait3A_195 = tpu.memref_slice %arg4[%dma_wait3A_193, %dma_wait3A_194] : memref<819200x64xf32, #tpu.memory_space<hbm>> -> memref<256x64xf32, #tpu.memory_space<hbm>>
          %dma_wait3A_196 = arith.constant 0 : i32
          %dma_wait3A_197 = arith.constant 0 : i32
          %dma_wait3A_198 = tpu.memref_slice %arg4[%dma_wait3A_196, %dma_wait3A_197] : memref<819200x64xf32, #tpu.memory_space<hbm>> -> memref<256x64xf32, #tpu.memory_space<hbm>>
          tpu.wait_dma2 semaphore(%arg17 : memref<!tpu.dma_semaphore, #tpu.memory_space<semaphore_mem>>) src(%arg9 : memref<256x64xf32, #tpu.memory_space<vmem>>) dst(%dma_wait3A_198 : memref<256x64xf32, #tpu.memory_space<hbm>>)
        } else {
        }
        %mul3A_167 = arith.constant 2 : i32
        %mul3A_168 = arith.muli %add3A_110, %mul3A_167 : i32
        %add3A_169 = arith.constant 0 : i32
        %add3A_170 = arith.addi %mul3A_168, %add3A_169 : i32
        %dma_start3A_171 = arith.constant 0 : i32
        %dma_start3A_172 = arith.constant 0 : i32
        %dma_start3A_173 = tpu.memref_slice %arg9[%dma_start3A_171, %dma_start3A_172] : memref<256x64xf32, #tpu.memory_space<vmem>> -> memref<128x64xf32, #tpu.memory_space<vmem>>
        %dma_start3A_174 = arith.constant 0 : i32
        %dma_start3A_175 = tpu.memref_slice %arg5[%add3A_170, %dma_start3A_174] : memref<200x128xi32, #tpu.memory_space<vmem>> -> memref<1x128xi32, #tpu.memory_space<vmem>>
        %dma_start3A_176 = tpu.memref_squeeze %dma_start3A_175 : memref<1x128xi32, #tpu.memory_space<vmem>> -> memref<128xi32, #tpu.memory_space<vmem>>
        %dma_start3A_177 = arith.constant 0 : i32
        %dma_start3A_178 = arith.constant 0 : i32
        %dma_start3A_179 = tpu.memref_slice %arg2[%dma_start3A_177, %dma_start3A_178] : memref<1000000x64xf32, #tpu.memory_space<hbm>> -> memref<1000000x64xf32, #tpu.memory_space<hbm>>
        tpu.enqueue_indirect_dma source(%dma_start3A_179 : memref<1000000x64xf32, #tpu.memory_space<hbm>>) target(%dma_start3A_173 : memref<128x64xf32, #tpu.memory_space<vmem>>) offsets(%dma_start3A_176 : memref<128xi32, #tpu.memory_space<vmem>>) semaphore(%arg13 : memref<!tpu.dma_semaphore, #tpu.memory_space<semaphore_mem>>)
        %mul3A_180 = arith.constant 2 : i32
        %mul3A_181 = arith.muli %add3A_110, %mul3A_180 : i32
        %add3A_182 = arith.constant 1 : i32
        %add3A_183 = arith.addi %mul3A_181, %add3A_182 : i32
        %dma_start3A_184 = arith.constant 128 : i32
        %dma_start3A_185 = arith.constant 0 : i32
        %dma_start3A_186 = tpu.memref_slice %arg9[%dma_start3A_184, %dma_start3A_185] : memref<256x64xf32, #tpu.memory_space<vmem>> -> memref<128x64xf32, #tpu.memory_space<vmem>>
        %dma_start3A_187 = arith.constant 0 : i32
        %dma_start3A_188 = tpu.memref_slice %arg5[%add3A_183, %dma_start3A_187] : memref<200x128xi32, #tpu.memory_space<vmem>> -> memref<1x128xi32, #tpu.memory_space<vmem>>
        %dma_start3A_189 = tpu.memref_squeeze %dma_start3A_188 : memref<1x128xi32, #tpu.memory_space<vmem>> -> memref<128xi32, #tpu.memory_space<vmem>>
        %dma_start3A_190 = arith.constant 0 : i32
        %dma_start3A_191 = arith.constant 0 : i32
        %dma_start3A_192 = tpu.memref_slice %arg2[%dma_start3A_190, %dma_start3A_191] : memref<1000000x64xf32, #tpu.memory_space<hbm>> -> memref<1000000x64xf32, #tpu.memory_space<hbm>>
        tpu.enqueue_indirect_dma source(%dma_start3A_192 : memref<1000000x64xf32, #tpu.memory_space<hbm>>) target(%dma_start3A_186 : memref<128x64xf32, #tpu.memory_space<vmem>>) offsets(%dma_start3A_189 : memref<128xi32, #tpu.memory_space<vmem>>) semaphore(%arg13 : memref<!tpu.dma_semaphore, #tpu.memory_space<semaphore_mem>>)
      } else {
      }
      %dma_wait3A_116 = arith.constant 0 : i32
      %dma_wait3A_117 = arith.constant 0 : i32
      %dma_wait3A_118 = tpu.memref_slice %arg2[%dma_wait3A_116, %dma_wait3A_117] : memref<1000000x64xf32, #tpu.memory_space<hbm>> -> memref<256x64xf32, #tpu.memory_space<hbm>>
      %dma_wait3A_119 = arith.constant 0 : i32
      %dma_wait3A_120 = arith.constant 0 : i32
      %dma_wait3A_121 = tpu.memref_slice %arg2[%dma_wait3A_119, %dma_wait3A_120] : memref<1000000x64xf32, #tpu.memory_space<hbm>> -> memref<256x64xf32, #tpu.memory_space<hbm>>
      tpu.wait_dma2 semaphore(%arg12 : memref<!tpu.dma_semaphore, #tpu.memory_space<semaphore_mem>>) src(%dma_wait3A_121 : memref<256x64xf32, #tpu.memory_space<hbm>>) dst(%arg8 : memref<256x64xf32, #tpu.memory_space<vmem>>)
      %parallel_loop3A_122 = arith.constant 0 : i32
      %parallel_loop3A_123 = arith.constant 256 : i32
      %parallel_loop3A_124 = arith.constant 1 : i32
      scf.for %parallel_loop3A_163 = %parallel_loop3A_122 to %parallel_loop3A_123 step %parallel_loop3A_124  : i32 {
        %parallel_loop3A_164 = arith.index_cast %parallel_loop3A_163 : i32 to index
        %parallel_loop3A_165 = arith.constant 0 : index
        %parallel_loop3A_166 = tpu.vector_load %arg8[%parallel_loop3A_164, %parallel_loop3A_165] {strides = array<i32>} : memref<256x64xf32, #tpu.memory_space<vmem>>, vector<1x16xf32>,
        %parallel_loop3A_167 = vector.shape_cast %parallel_loop3A_166 : vector<1x16xf32> to vector<16xf32>
        %parallel_loop3A_168 = arith.constant 8.000000e+00 : f32
        %parallel_loop3A_169 = vector.broadcast %parallel_loop3A_168 : f32 to vector<16xf32>
        %parallel_loop3A_170 = arith.mulf %parallel_loop3A_167, %parallel_loop3A_169 : vector<16xf32>
        %parallel_loop3A_171 = arith.index_cast %parallel_loop3A_163 : i32 to index
        %parallel_loop3A_172 = arith.constant 0 : index
        %parallel_loop3A_173 = tpu.vector_load %arg8[%parallel_loop3A_171, %parallel_loop3A_172] {strides = array<i32>} : memref<256x64xf32, #tpu.memory_space<vmem>>, vector<1x16xf32>,
        %parallel_loop3A_174 = vector.shape_cast %parallel_loop3A_173 : vector<1x16xf32> to vector<16xf32>
        %parallel_loop3A_175 = vector.shape_cast %parallel_loop3A_170 : vector<16xf32> to vector<1x16xf32>
        tpu.vector_store %arg8[%parallel_loop3A_171, %parallel_loop3A_172], %parallel_loop3A_175 {strides = array<i32>} : memref<256x64xf32, #tpu.memory_space<vmem>>, vector<1x16xf32>,
        %parallel_loop3A_176 = arith.index_cast %parallel_loop3A_163 : i32 to index
        %parallel_loop3A_177 = arith.constant 16 : index
        %parallel_loop3A_178 = tpu.vector_load %arg8[%parallel_loop3A_176, %parallel_loop3A_177] {strides = array<i32>} : memref<256x64xf32, #tpu.memory_space<vmem>>, vector<1x16xf32>,
        %parallel_loop3A_179 = vector.shape_cast %parallel_loop3A_178 : vector<1x16xf32> to vector<16xf32>
        %parallel_loop3A_180 = arith.constant 8.000000e+00 : f32
        %parallel_loop3A_181 = vector.broadcast %parallel_loop3A_180 : f32 to vector<16xf32>
        %parallel_loop3A_182 = arith.mulf %parallel_loop3A_179, %parallel_loop3A_181 : vector<16xf32>
        %parallel_loop3A_183 = arith.index_cast %parallel_loop3A_163 : i32 to index
        %parallel_loop3A_184 = arith.constant 16 : index
        %parallel_loop3A_185 = tpu.vector_load %arg8[%parallel_loop3A_183, %parallel_loop3A_184] {strides = array<i32>} : memref<256x64xf32, #tpu.memory_space<vmem>>, vector<1x16xf32>,
        %parallel_loop3A_186 = vector.shape_cast %parallel_loop3A_185 : vector<1x16xf32> to vector<16xf32>
        %parallel_loop3A_187 = vector.shape_cast %parallel_loop3A_182 : vector<16xf32> to vector<1x16xf32>
        tpu.vector_store %arg8[%parallel_loop3A_183, %parallel_loop3A_184], %parallel_loop3A_187 {strides = array<i32>} : memref<256x64xf32, #tpu.memory_space<vmem>>, vector<1x16xf32>,
        %parallel_loop3A_188 = arith.index_cast %parallel_loop3A_163 : i32 to index
        %parallel_loop3A_189 = arith.constant 32 : index
        %parallel_loop3A_190 = tpu.vector_load %arg8[%parallel_loop3A_188, %parallel_loop3A_189] {strides = array<i32>} : memref<256x64xf32, #tpu.memory_space<vmem>>, vector<1x16xf32>,
        %parallel_loop3A_191 = vector.shape_cast %parallel_loop3A_190 : vector<1x16xf32> to vector<16xf32>
        %parallel_loop3A_192 = arith.constant 8.000000e+00 : f32
        %parallel_loop3A_193 = vector.broadcast %parallel_loop3A_192 : f32 to vector<16xf32>
        %parallel_loop3A_194 = arith.mulf %parallel_loop3A_191, %parallel_loop3A_193 : vector<16xf32>
        %parallel_loop3A_195 = arith.index_cast %parallel_loop3A_163 : i32 to index
        %parallel_loop3A_196 = arith.constant 32 : index
        %parallel_loop3A_197 = tpu.vector_load %arg8[%parallel_loop3A_195, %parallel_loop3A_196] {strides = array<i32>} : memref<256x64xf32, #tpu.memory_space<vmem>>, vector<1x16xf32>,
        %parallel_loop3A_198 = vector.shape_cast %parallel_loop3A_197 : vector<1x16xf32> to vector<16xf32>
        %parallel_loop3A_199 = vector.shape_cast %parallel_loop3A_194 : vector<16xf32> to vector<1x16xf32>
        tpu.vector_store %arg8[%parallel_loop3A_195, %parallel_loop3A_196], %parallel_loop3A_199 {strides = array<i32>} : memref<256x64xf32, #tpu.memory_space<vmem>>, vector<1x16xf32>,
        %parallel_loop3A_200 = arith.index_cast %parallel_loop3A_163 : i32 to index
        %parallel_loop3A_201 = arith.constant 48 : index
        %parallel_loop3A_202 = tpu.vector_load %arg8[%parallel_loop3A_200, %parallel_loop3A_201] {strides = array<i32>} : memref<256x64xf32, #tpu.memory_space<vmem>>, vector<1x16xf32>,
        %parallel_loop3A_203 = vector.shape_cast %parallel_loop3A_202 : vector<1x16xf32> to vector<16xf32>
        %parallel_loop3A_204 = arith.constant 8.000000e+00 : f32
        %parallel_loop3A_205 = vector.broadcast %parallel_loop3A_204 : f32 to vector<16xf32>
        %parallel_loop3A_206 = arith.mulf %parallel_loop3A_203, %parallel_loop3A_205 : vector<16xf32>
        %parallel_loop3A_207 = arith.index_cast %parallel_loop3A_163 : i32 to index
        %parallel_loop3A_208 = arith.constant 48 : index
        %parallel_loop3A_209 = tpu.vector_load %arg8[%parallel_loop3A_207, %parallel_loop3A_208] {strides = array<i32>} : memref<256x64xf32, #tpu.memory_space<vmem>>, vector<1x16xf32>,
        %parallel_loop3A_210 = vector.shape_cast %parallel_loop3A_209 : vector<1x16xf32> to vector<16xf32>
        %parallel_loop3A_211 = vector.shape_cast %parallel_loop3A_206 : vector<16xf32> to vector<1x16xf32>
        tpu.vector_store %arg8[%parallel_loop3A_207, %parallel_loop3A_208], %parallel_loop3A_211 {strides = array<i32>} : memref<256x64xf32, #tpu.memory_space<vmem>>, vector<1x16xf32>,
      } {sc.loop_unroll_factor = 4 : i64, sc.parallel_access}
      %mul3A_125 = arith.constant 2 : i32
      %mul3A_126 = arith.muli %add3A_108, %mul3A_125 : i32
      %add3A_127 = arith.addi %mul3A_2, %mul3A_126 : i32
      %mul3A_128 = arith.constant 128 : i32
      %mul3A_129 = arith.muli %add3A_127, %mul3A_128 : i32
      %dma_start3A_130 = arith.constant 0 : i32
      %dma_start3A_131 = tpu.memref_slice %arg4[%mul3A_129, %dma_start3A_130] : memref<819200x64xf32, #tpu.memory_space<hbm>> -> memref<256x64xf32, #tpu.memory_space<hbm>>
      %dma_start3A_132 = arith.constant 0 : i32
      %dma_start3A_133 = tpu.memref_slice %arg4[%mul3A_129, %dma_start3A_132] : memref<819200x64xf32, #tpu.memory_space<hbm>> -> memref<256x64xf32, #tpu.memory_space<hbm>>
      tpu.enqueue_dma source(%arg8 : memref<256x64xf32, #tpu.memory_space<vmem>>) target(%dma_start3A_133 : memref<256x64xf32, #tpu.memory_space<hbm>>) target_semaphore(%arg16 : memref<!tpu.dma_semaphore, #tpu.memory_space<semaphore_mem>>)
      %mul3A_134 = arith.constant 4 : i32
      %mul3A_135 = arith.muli %scan3A_50, %mul3A_134 : i32
      %add3A_136 = arith.constant 3 : i32
      %add3A_137 = arith.addi %mul3A_135, %add3A_136 : i32
      %add3A_138 = arith.constant 1 : i32
      %add3A_139 = arith.addi %add3A_137, %add3A_138 : i32
      %lt3A_140 = arith.constant 100 : i32
      %lt3A_141 = arith.cmpi slt, %add3A_139, %lt3A_140 : i32
      %convert_element_type3A_142 = arith.extui %lt3A_141 : i1 to i32
      %cond3A_143 = arith.constant 0 : i32
      %cond3A_144 = arith.cmpi ne, %convert_element_type3A_142, %cond3A_143 : i32
      scf.if %cond3A_144 {
        %ge3A = arith.constant 3 : i32
        %ge3A_163 = arith.cmpi sge, %add3A_137, %ge3A : i32
        %convert_element_type3A_164 = arith.extui %ge3A_163 : i1 to i32
        %cond3A_165 = arith.constant 0 : i32
        %cond3A_166 = arith.cmpi ne, %convert_element_type3A_164, %cond3A_165 : i32
        scf.if %cond3A_166 {
          %dma_wait3A_193 = arith.constant 0 : i32
          %dma_wait3A_194 = arith.constant 0 : i32
          %dma_wait3A_195 = tpu.memref_slice %arg4[%dma_wait3A_193, %dma_wait3A_194] : memref<819200x64xf32, #tpu.memory_space<hbm>> -> memref<256x64xf32, #tpu.memory_space<hbm>>
          %dma_wait3A_196 = arith.constant 0 : i32
          %dma_wait3A_197 = arith.constant 0 : i32
          %dma_wait3A_198 = tpu.memref_slice %arg4[%dma_wait3A_196, %dma_wait3A_197] : memref<819200x64xf32, #tpu.memory_space<hbm>> -> memref<256x64xf32, #tpu.memory_space<hbm>>
          tpu.wait_dma2 semaphore(%arg14 : memref<!tpu.dma_semaphore, #tpu.memory_space<semaphore_mem>>) src(%arg6 : memref<256x64xf32, #tpu.memory_space<vmem>>) dst(%dma_wait3A_198 : memref<256x64xf32, #tpu.memory_space<hbm>>)
        } else {
        }
        %mul3A_167 = arith.constant 2 : i32
        %mul3A_168 = arith.muli %add3A_139, %mul3A_167 : i32
        %add3A_169 = arith.constant 0 : i32
        %add3A_170 = arith.addi %mul3A_168, %add3A_169 : i32
        %dma_start3A_171 = arith.constant 0 : i32
        %dma_start3A_172 = arith.constant 0 : i32
        %dma_start3A_173 = tpu.memref_slice %arg6[%dma_start3A_171, %dma_start3A_172] : memref<256x64xf32, #tpu.memory_space<vmem>> -> memref<128x64xf32, #tpu.memory_space<vmem>>
        %dma_start3A_174 = arith.constant 0 : i32
        %dma_start3A_175 = tpu.memref_slice %arg5[%add3A_170, %dma_start3A_174] : memref<200x128xi32, #tpu.memory_space<vmem>> -> memref<1x128xi32, #tpu.memory_space<vmem>>
        %dma_start3A_176 = tpu.memref_squeeze %dma_start3A_175 : memref<1x128xi32, #tpu.memory_space<vmem>> -> memref<128xi32, #tpu.memory_space<vmem>>
        %dma_start3A_177 = arith.constant 0 : i32
        %dma_start3A_178 = arith.constant 0 : i32
        %dma_start3A_179 = tpu.memref_slice %arg2[%dma_start3A_177, %dma_start3A_178] : memref<1000000x64xf32, #tpu.memory_space<hbm>> -> memref<1000000x64xf32, #tpu.memory_space<hbm>>
        tpu.enqueue_indirect_dma source(%dma_start3A_179 : memref<1000000x64xf32, #tpu.memory_space<hbm>>) target(%dma_start3A_173 : memref<128x64xf32, #tpu.memory_space<vmem>>) offsets(%dma_start3A_176 : memref<128xi32, #tpu.memory_space<vmem>>) semaphore(%arg10 : memref<!tpu.dma_semaphore, #tpu.memory_space<semaphore_mem>>)
        %mul3A_180 = arith.constant 2 : i32
        %mul3A_181 = arith.muli %add3A_139, %mul3A_180 : i32
        %add3A_182 = arith.constant 1 : i32
        %add3A_183 = arith.addi %mul3A_181, %add3A_182 : i32
        %dma_start3A_184 = arith.constant 128 : i32
        %dma_start3A_185 = arith.constant 0 : i32
        %dma_start3A_186 = tpu.memref_slice %arg6[%dma_start3A_184, %dma_start3A_185] : memref<256x64xf32, #tpu.memory_space<vmem>> -> memref<128x64xf32, #tpu.memory_space<vmem>>
        %dma_start3A_187 = arith.constant 0 : i32
        %dma_start3A_188 = tpu.memref_slice %arg5[%add3A_183, %dma_start3A_187] : memref<200x128xi32, #tpu.memory_space<vmem>> -> memref<1x128xi32, #tpu.memory_space<vmem>>
        %dma_start3A_189 = tpu.memref_squeeze %dma_start3A_188 : memref<1x128xi32, #tpu.memory_space<vmem>> -> memref<128xi32, #tpu.memory_space<vmem>>
        %dma_start3A_190 = arith.constant 0 : i32
        %dma_start3A_191 = arith.constant 0 : i32
        %dma_start3A_192 = tpu.memref_slice %arg2[%dma_start3A_190, %dma_start3A_191] : memref<1000000x64xf32, #tpu.memory_space<hbm>> -> memref<1000000x64xf32, #tpu.memory_space<hbm>>
        tpu.enqueue_indirect_dma source(%dma_start3A_192 : memref<1000000x64xf32, #tpu.memory_space<hbm>>) target(%dma_start3A_186 : memref<128x64xf32, #tpu.memory_space<vmem>>) offsets(%dma_start3A_189 : memref<128xi32, #tpu.memory_space<vmem>>) semaphore(%arg10 : memref<!tpu.dma_semaphore, #tpu.memory_space<semaphore_mem>>)
      } else {
      }
      %dma_wait3A_145 = arith.constant 0 : i32
      %dma_wait3A_146 = arith.constant 0 : i32
      %dma_wait3A_147 = tpu.memref_slice %arg2[%dma_wait3A_145, %dma_wait3A_146] : memref<1000000x64xf32, #tpu.memory_space<hbm>> -> memref<256x64xf32, #tpu.memory_space<hbm>>
      %dma_wait3A_148 = arith.constant 0 : i32
      %dma_wait3A_149 = arith.constant 0 : i32
      %dma_wait3A_150 = tpu.memref_slice %arg2[%dma_wait3A_148, %dma_wait3A_149] : memref<1000000x64xf32, #tpu.memory_space<hbm>> -> memref<256x64xf32, #tpu.memory_space<hbm>>
      tpu.wait_dma2 semaphore(%arg13 : memref<!tpu.dma_semaphore, #tpu.memory_space<semaphore_mem>>) src(%dma_wait3A_150 : memref<256x64xf32, #tpu.memory_space<hbm>>) dst(%arg9 : memref<256x64xf32, #tpu.memory_space<vmem>>)
      %parallel_loop3A_151 = arith.constant 0 : i32
      %parallel_loop3A_152 = arith.constant 256 : i32
      %parallel_loop3A_153 = arith.constant 1 : i32
      scf.for %parallel_loop3A_163 = %parallel_loop3A_151 to %parallel_loop3A_152 step %parallel_loop3A_153  : i32 {
        %parallel_loop3A_164 = arith.index_cast %parallel_loop3A_163 : i32 to index
        %parallel_loop3A_165 = arith.constant 0 : index
        %parallel_loop3A_166 = tpu.vector_load %arg9[%parallel_loop3A_164, %parallel_loop3A_165] {strides = array<i32>} : memref<256x64xf32, #tpu.memory_space<vmem>>, vector<1x16xf32>,
        %parallel_loop3A_167 = vector.shape_cast %parallel_loop3A_166 : vector<1x16xf32> to vector<16xf32>
        %parallel_loop3A_168 = arith.constant 8.000000e+00 : f32
        %parallel_loop3A_169 = vector.broadcast %parallel_loop3A_168 : f32 to vector<16xf32>
        %parallel_loop3A_170 = arith.mulf %parallel_loop3A_167, %parallel_loop3A_169 : vector<16xf32>
        %parallel_loop3A_171 = arith.index_cast %parallel_loop3A_163 : i32 to index
        %parallel_loop3A_172 = arith.constant 0 : index
        %parallel_loop3A_173 = tpu.vector_load %arg9[%parallel_loop3A_171, %parallel_loop3A_172] {strides = array<i32>} : memref<256x64xf32, #tpu.memory_space<vmem>>, vector<1x16xf32>,
        %parallel_loop3A_174 = vector.shape_cast %parallel_loop3A_173 : vector<1x16xf32> to vector<16xf32>
        %parallel_loop3A_175 = vector.shape_cast %parallel_loop3A_170 : vector<16xf32> to vector<1x16xf32>
        tpu.vector_store %arg9[%parallel_loop3A_171, %parallel_loop3A_172], %parallel_loop3A_175 {strides = array<i32>} : memref<256x64xf32, #tpu.memory_space<vmem>>, vector<1x16xf32>,
        %parallel_loop3A_176 = arith.index_cast %parallel_loop3A_163 : i32 to index
        %parallel_loop3A_177 = arith.constant 16 : index
        %parallel_loop3A_178 = tpu.vector_load %arg9[%parallel_loop3A_176, %parallel_loop3A_177] {strides = array<i32>} : memref<256x64xf32, #tpu.memory_space<vmem>>, vector<1x16xf32>,
        %parallel_loop3A_179 = vector.shape_cast %parallel_loop3A_178 : vector<1x16xf32> to vector<16xf32>
        %parallel_loop3A_180 = arith.constant 8.000000e+00 : f32
        %parallel_loop3A_181 = vector.broadcast %parallel_loop3A_180 : f32 to vector<16xf32>
        %parallel_loop3A_182 = arith.mulf %parallel_loop3A_179, %parallel_loop3A_181 : vector<16xf32>
        %parallel_loop3A_183 = arith.index_cast %parallel_loop3A_163 : i32 to index
        %parallel_loop3A_184 = arith.constant 16 : index
        %parallel_loop3A_185 = tpu.vector_load %arg9[%parallel_loop3A_183, %parallel_loop3A_184] {strides = array<i32>} : memref<256x64xf32, #tpu.memory_space<vmem>>, vector<1x16xf32>,
        %parallel_loop3A_186 = vector.shape_cast %parallel_loop3A_185 : vector<1x16xf32> to vector<16xf32>
        %parallel_loop3A_187 = vector.shape_cast %parallel_loop3A_182 : vector<16xf32> to vector<1x16xf32>
        tpu.vector_store %arg9[%parallel_loop3A_183, %parallel_loop3A_184], %parallel_loop3A_187 {strides = array<i32>} : memref<256x64xf32, #tpu.memory_space<vmem>>, vector<1x16xf32>,
        %parallel_loop3A_188 = arith.index_cast %parallel_loop3A_163 : i32 to index
        %parallel_loop3A_189 = arith.constant 32 : index
        %parallel_loop3A_190 = tpu.vector_load %arg9[%parallel_loop3A_188, %parallel_loop3A_189] {strides = array<i32>} : memref<256x64xf32, #tpu.memory_space<vmem>>, vector<1x16xf32>,
        %parallel_loop3A_191 = vector.shape_cast %parallel_loop3A_190 : vector<1x16xf32> to vector<16xf32>
        %parallel_loop3A_192 = arith.constant 8.000000e+00 : f32
        %parallel_loop3A_193 = vector.broadcast %parallel_loop3A_192 : f32 to vector<16xf32>
        %parallel_loop3A_194 = arith.mulf %parallel_loop3A_191, %parallel_loop3A_193 : vector<16xf32>
        %parallel_loop3A_195 = arith.index_cast %parallel_loop3A_163 : i32 to index
        %parallel_loop3A_196 = arith.constant 32 : index
        %parallel_loop3A_197 = tpu.vector_load %arg9[%parallel_loop3A_195, %parallel_loop3A_196] {strides = array<i32>} : memref<256x64xf32, #tpu.memory_space<vmem>>, vector<1x16xf32>,
        %parallel_loop3A_198 = vector.shape_cast %parallel_loop3A_197 : vector<1x16xf32> to vector<16xf32>
        %parallel_loop3A_199 = vector.shape_cast %parallel_loop3A_194 : vector<16xf32> to vector<1x16xf32>
        tpu.vector_store %arg9[%parallel_loop3A_195, %parallel_loop3A_196], %parallel_loop3A_199 {strides = array<i32>} : memref<256x64xf32, #tpu.memory_space<vmem>>, vector<1x16xf32>,
        %parallel_loop3A_200 = arith.index_cast %parallel_loop3A_163 : i32 to index
        %parallel_loop3A_201 = arith.constant 48 : index
        %parallel_loop3A_202 = tpu.vector_load %arg9[%parallel_loop3A_200, %parallel_loop3A_201] {strides = array<i32>} : memref<256x64xf32, #tpu.memory_space<vmem>>, vector<1x16xf32>,
        %parallel_loop3A_203 = vector.shape_cast %parallel_loop3A_202 : vector<1x16xf32> to vector<16xf32>
        %parallel_loop3A_204 = arith.constant 8.000000e+00 : f32
        %parallel_loop3A_205 = vector.broadcast %parallel_loop3A_204 : f32 to vector<16xf32>
        %parallel_loop3A_206 = arith.mulf %parallel_loop3A_203, %parallel_loop3A_205 : vector<16xf32>
        %parallel_loop3A_207 = arith.index_cast %parallel_loop3A_163 : i32 to index
        %parallel_loop3A_208 = arith.constant 48 : index
        %parallel_loop3A_209 = tpu.vector_load %arg9[%parallel_loop3A_207, %parallel_loop3A_208] {strides = array<i32>} : memref<256x64xf32, #tpu.memory_space<vmem>>, vector<1x16xf32>,
        %parallel_loop3A_210 = vector.shape_cast %parallel_loop3A_209 : vector<1x16xf32> to vector<16xf32>
        %parallel_loop3A_211 = vector.shape_cast %parallel_loop3A_206 : vector<16xf32> to vector<1x16xf32>
        tpu.vector_store %arg9[%parallel_loop3A_207, %parallel_loop3A_208], %parallel_loop3A_211 {strides = array<i32>} : memref<256x64xf32, #tpu.memory_space<vmem>>, vector<1x16xf32>,
      } {sc.loop_unroll_factor = 4 : i64, sc.parallel_access}
      %mul3A_154 = arith.constant 2 : i32
      %mul3A_155 = arith.muli %add3A_137, %mul3A_154 : i32
      %add3A_156 = arith.addi %mul3A_2, %mul3A_155 : i32
      %mul3A_157 = arith.constant 128 : i32
      %mul3A_158 = arith.muli %add3A_156, %mul3A_157 : i32
      %dma_start3A_159 = arith.constant 0 : i32
      %dma_start3A_160 = tpu.memref_slice %arg4[%mul3A_158, %dma_start3A_159] : memref<819200x64xf32, #tpu.memory_space<hbm>> -> memref<256x64xf32, #tpu.memory_space<hbm>>
      %dma_start3A_161 = arith.constant 0 : i32
      %dma_start3A_162 = tpu.memref_slice %arg4[%mul3A_158, %dma_start3A_161] : memref<819200x64xf32, #tpu.memory_space<hbm>> -> memref<256x64xf32, #tpu.memory_space<hbm>>
      tpu.enqueue_dma source(%arg9 : memref<256x64xf32, #tpu.memory_space<vmem>>) target(%dma_start3A_162 : memref<256x64xf32, #tpu.memory_space<hbm>>) target_semaphore(%arg17 : memref<!tpu.dma_semaphore, #tpu.memory_space<semaphore_mem>>)
    }
    %scan3A_26 = arith.constant 25 : i32
    %dma_wait3A = arith.constant 0 : i32
    %dma_wait3A_27 = arith.constant 0 : i32
    %dma_wait3A_28 = tpu.memref_slice %arg4[%dma_wait3A, %dma_wait3A_27] : memref<819200x64xf32, #tpu.memory_space<hbm>> -> memref<256x64xf32, #tpu.memory_space<hbm>>
    %dma_wait3A_29 = arith.constant 0 : i32
    %dma_wait3A_30 = arith.constant 0 : i32
    %dma_wait3A_31 = tpu.memref_slice %arg4[%dma_wait3A_29, %dma_wait3A_30] : memref<819200x64xf32, #tpu.memory_space<hbm>> -> memref<256x64xf32, #tpu.memory_space<hbm>>
    tpu.wait_dma2 semaphore(%arg14 : memref<!tpu.dma_semaphore, #tpu.memory_space<semaphore_mem>>) src(%arg6 : memref<256x64xf32, #tpu.memory_space<vmem>>) dst(%dma_wait3A_31 : memref<256x64xf32, #tpu.memory_space<hbm>>)
    %dma_wait3A_32 = arith.constant 0 : i32
    %dma_wait3A_33 = arith.constant 0 : i32
    %dma_wait3A_34 = tpu.memref_slice %arg4[%dma_wait3A_32, %dma_wait3A_33] : memref<819200x64xf32, #tpu.memory_space<hbm>> -> memref<256x64xf32, #tpu.memory_space<hbm>>
    %dma_wait3A_35 = arith.constant 0 : i32
    %dma_wait3A_36 = arith.constant 0 : i32
    %dma_wait3A_37 = tpu.memref_slice %arg4[%dma_wait3A_35, %dma_wait3A_36] : memref<819200x64xf32, #tpu.memory_space<hbm>> -> memref<256x64xf32, #tpu.memory_space<hbm>>
    tpu.wait_dma2 semaphore(%arg15 : memref<!tpu.dma_semaphore, #tpu.memory_space<semaphore_mem>>) src(%arg7 : memref<256x64xf32, #tpu.memory_space<vmem>>) dst(%dma_wait3A_37 : memref<256x64xf32, #tpu.memory_space<hbm>>)
    %dma_wait3A_38 = arith.constant 0 : i32
    %dma_wait3A_39 = arith.constant 0 : i32
    %dma_wait3A_40 = tpu.memref_slice %arg4[%dma_wait3A_38, %dma_wait3A_39] : memref<819200x64xf32, #tpu.memory_space<hbm>> -> memref<256x64xf32, #tpu.memory_space<hbm>>
    %dma_wait3A_41 = arith.constant 0 : i32
    %dma_wait3A_42 = arith.constant 0 : i32
    %dma_wait3A_43 = tpu.memref_slice %arg4[%dma_wait3A_41, %dma_wait3A_42] : memref<819200x64xf32, #tpu.memory_space<hbm>> -> memref<256x64xf32, #tpu.memory_space<hbm>>
    tpu.wait_dma2 semaphore(%arg16 : memref<!tpu.dma_semaphore, #tpu.memory_space<semaphore_mem>>) src(%arg8 : memref<256x64xf32, #tpu.memory_space<vmem>>) dst(%dma_wait3A_43 : memref<256x64xf32, #tpu.memory_space<hbm>>)
    %dma_wait3A_44 = arith.constant 0 : i32
    %dma_wait3A_45 = arith.constant 0 : i32
    %dma_wait3A_46 = tpu.memref_slice %arg4[%dma_wait3A_44, %dma_wait3A_45] : memref<819200x64xf32, #tpu.memory_space<hbm>> -> memref<256x64xf32, #tpu.memory_space<hbm>>
    %dma_wait3A_47 = arith.constant 0 : i32
    %dma_wait3A_48 = arith.constant 0 : i32
    %dma_wait3A_49 = tpu.memref_slice %arg4[%dma_wait3A_47, %dma_wait3A_48] : memref<819200x64xf32, #tpu.memory_space<hbm>> -> memref<256x64xf32, #tpu.memory_space<hbm>>
    tpu.wait_dma2 semaphore(%arg17 : memref<!tpu.dma_semaphore, #tpu.memory_space<semaphore_mem>>) src(%arg9 : memref<256x64xf32, #tpu.memory_space<vmem>>) dst(%dma_wait3A_49 : memref<256x64xf32, #tpu.memory_space<hbm>>)
    return
  }
}

</mosaic_0001>

<sc_bundles>
// kernel: kernel.3.cloned.1.call-start
scs
__scs_entry_jumppad:
0x0: {  	(pc) =	sbr.rel $0x88, $3  }
0x1: {  	(tag) =	ssettag $0x0;
	lr =	simm.s32 $0x1  }
0x2: {  	[smem:$0x3F9F] =	sst lr;
	_ =	strace $0xD0000000  }
0x3: {  	_ = 	snop  }
0x4: {  	_ = 	snop  }
0x5: {  	_ = 	snop  }
0x6: {  	_ = 	snop  }
0x7: {  	_ = 	snop  }
__scs_overlays_trampoline_lowered:
0x8: {  	[smem:$0x3FAE] =	sst s0  }
0x9: {  	[smem:$0x3FAF] =	sst s1  }
0xa: {  	[smem:$0x3FB0] =	sst s2  }
0xb: {  	[smem:$0x3FB1] =	sst s3  }
0xc: {  	[smem:$0x3FB2] =	sst s4  }
0xd: {  	[smem:$0x3FB3] =	sst s5  }
0xe: {  	[smem:$0x3FB4] =	sst s6  }
0xf: {  	[smem:$0x3FB5] =	sst s7  }
0x10: {  	[smem:$0x3FB6] =	sst s8  }
0x11: {  	[smem:$0x3FB7] =	sst s9;
	s0 =	simm.s32 @!p0 $0x0  }
0x12: {  	s1 =	sld [smem:$0x3F9D];
	s0 =	simm.s32 @p0 $0x1  }
0x13: {  	[smem:$0x3FB8] =	sst s0;
	s0 =	simm.s32 @!p1 $0x0  }
0x14: {  	s2 =	sld [smem:$0x3F9C];
	s0 =	simm.s32 @p1 $0x1  }
0x15: {  	[smem:$0x3FB9] =	sst s0;
	s0 =	simm.s32 @!p2 $0x0  }
0x16: {  	s3 =	sld [smem:$0x3FDB];
	s0 =	simm.s32 @p2 $0x1  }
0x17: {  	s4 =	simm.s32 $0x1BF5;
	[smem:$0x3FBB] =	sst s0  }
0x18: {  	s0 =	sld [smem:$0x3F9E];
	_ =	swait.ge [sflag:s4], $0x0  }
0x19: {  	s7 =	sld [smem:$0x3F9F]  }
0x1a: {  	s8 =	sadd.s32 $0xFFFFE003, lr  }
0x1b: {  	s9 =	sadd.s32 $0xFFFFFEF7, lr;
	s5 =	simm.s32 $0xFFFFFFFF;
	p2 =	slt.u32 s8, $0xFFFFF086  }
0x1c: {  	p1 =	slt.u32 s9, $0xF7A;
	s5 =	simm.s32 @!p2 $0x0  }
0x1d: {  	s5 =	simm.s32 @p1 $0x1;
	p0 =	seq.s32 s7, s2  }
0x1e: {  	s7 =	smul.u32 @!p0 $0xF7A, s2;
	p2 =	seq.s32 @!p0 s5, $0x0  }
0x1f: {  	s9 =	smul.u32 $0xF7A, s1;
	s8 =	simm.s32 @!p0 $0x1BF5;
	p2 =	por !p2, p0  }
0x20: {  	[sflag:s8] =	ssyncset.s32 @!p0 $0xFFFFF086;
	s6 =	sadd.s32 @!p0 s3, s7;
	s7 =	simm.s32 @!p0 $0x108  }
0x21: {  	s3 =	sadd.s32 s3, s9;
	s6 =	sadd.s32 @!p0 $0x88, s6;
	s7 =	simm.s32 @p2 $0x1082  }
0x22: {  	[simem:s7], [sflag:s8] =	dma.local @!p0 [hbm:s6], $0xF7A  }
0x23: {  	s9 =	sor.u32 $0xD0000000, s2;
	s6 =	simm.s32 $0x108;
	_ =	swait.ge @!p0 [sflag:s8], $0x0  }
0x24: {  	s3 =	sadd.s32 $0x88, s3;
	s6 =	simm.s32 @!p1 $0x1082;
	[sflag:s4] =	ssyncset.s32 $0xFFFFF086  }
0x25: {  	[simem:s6], [sflag:s4] =	dma.local [hbm:s3], $0xF7A  }
0x26: {  	[smem:$0x3F9F] =	sst s1;
	(tag) =	ssettag s2;
	_ =	strace s9  }
0x27: {  	s1 =	sld [smem:$0x3FAF]  }
0x28: {  	s2 =	sld [smem:$0x3FB0]  }
0x29: {  	s4 =	sld [smem:$0x3FB2]  }
0x2a: {  	p0 =	seq.s32 s5, $0x0;
	s5 =	sld [smem:$0x3FB3]  }
0x2b: {  	s6 =	sld [smem:$0x3FB4]  }
0x2c: {  	s7 =	sld [smem:$0x3FB5]  }
0x2d: {  	s3 =	simm.s32 $0x108;
	s8 =	sld [smem:$0x3FB6]  }
0x2e: {  	s3 =	simm.s32 @!p0 $0x1082;
	s9 =	sld [smem:$0x3FB7]  }
0x2f: {  	lr =	sadd.s32 s0, s3;
	s0 =	sld [smem:$0x3FAE]  }
0x30: {  	s3 =	sld [smem:$0x3FB1]  }
0x31: {  	[smem:$0x3FBA] =	sst s10  }
0x32: {  	s10 =	sld [smem:$0x3FB8];
	_ =	sdelay $0x3  }
0x33: {  	p0 =	seq.s32 s10, $0x1;
	s10 =	sld [smem:$0x3FBA];
	_ =	sdelay $0x3  }
0x34: {  	[smem:$0x3FBA] =	sst s10  }
0x35: {  	s10 =	sld [smem:$0x3FB9];
	_ =	sdelay $0x3  }
0x36: {  	p1 =	seq.s32 s10, $0x1;
	s10 =	sld [smem:$0x3FBA];
	_ =	sdelay $0x3  }
0x37: {  	[smem:$0x3FBA] =	sst s10  }
0x38: {  	s10 =	sld [smem:$0x3FBB]  }
0x39: {  	_ = 	snop;
	(pc) =	sbr.ind lr, $3  }
0x3a: {  	_ = 	snop  }
0x3b: {  	_ = 	snop  }
0x3c: {  	p2 =	seq.s32 s10, $0x1;
	s10 =	sld [smem:$0x3FBA]  }
0x3d: {  	_ =	shalt  }
0x3e: {  	_ =	shalt  }
0x3f: {  	_ =	shalt  }
0x40: {  	_ =	shalt  }
0x41: {  	_ =	shalt  }
0x42: {  	_ =	shalt  }
0x43: {  	_ =	shalt  }
0x44: {  	_ =	shalt  }
0x45: {  	_ =	shalt  }
0x46: {  	_ =	shalt  }
0x47: {  	_ =	shalt  }
0x48: {  	_ =	shalt  }
0x49: {  	_ =	shalt  }
0x4a: {  	_ =	shalt  }
0x4b: {  	_ =	shalt  }
0x4c: {  	_ =	shalt  }
0x4d: {  	_ =	shalt  }
0x4e: {  	_ =	shalt  }
0x4f: {  	_ =	shalt  }
0x50: {  	_ =	shalt  }
0x51: {  	_ =	shalt  }
0x52: {  	_ =	shalt  }
0x53: {  	_ =	shalt  }
0x54: {  	_ =	shalt  }
0x55: {  	_ =	shalt  }
0x56: {  	_ =	shalt  }
0x57: {  	_ =	shalt  }
0x58: {  	_ =	shalt  }
0x59: {  	_ =	shalt  }
0x5a: {  	_ =	shalt  }
0x5b: {  	_ =	shalt  }
0x5c: {  	_ =	shalt  }
0x5d: {  	_ =	shalt  }
0x5e: {  	_ =	shalt  }
0x5f: {  	_ =	shalt  }
0x60: {  	_ =	shalt  }
0x61: {  	_ =	shalt  }
0x62: {  	_ =	shalt  }
0x63: {  	_ =	shalt  }
0x64: {  	_ =	shalt  }
0x65: {  	_ =	shalt  }
0x66: {  	_ =	shalt  }
0x67: {  	_ =	shalt  }
0x68: {  	_ =	shalt  }
0x69: {  	_ =	shalt  }
0x6a: {  	_ =	shalt  }
0x6b: {  	_ =	shalt  }
0x6c: {  	_ =	shalt  }
0x6d: {  	_ =	shalt  }
0x6e: {  	_ =	shalt  }
0x6f: {  	_ =	shalt  }
0x70: {  	_ =	shalt  }
0x71: {  	_ =	shalt  }
0x72: {  	_ =	shalt  }
0x73: {  	_ =	shalt  }
0x74: {  	_ =	shalt  }
0x75: {  	_ =	shalt  }
0x76: {  	_ =	shalt  }
0x77: {  	_ =	shalt  }
0x78: {  	_ =	shalt  }
0x79: {  	_ =	shalt  }
0x7a: {  	_ =	shalt  }
0x7b: {  	_ =	shalt  }
0x7c: {  	_ =	shalt  }
0x7d: {  	_ =	shalt  }
0x7e: {  	_ =	shalt  }
0x7f: {  	_ =	shalt  }
0x80: {  	_ =	shalt  }
0x81: {  	_ =	shalt  }
0x82: {  	_ =	shalt  }
0x83: {  	_ =	shalt  }
0x84: {  	_ =	shalt  }
0x85: {  	_ =	shalt  }
0x86: {  	_ =	shalt  }
0x87: {  	_ =	shalt  }
.Lfunc_end0:
.L_simem_size_0:
called_computation.1_lowered:
.L_overlay_start_0:
0x88: {  	s2 =	sld [smem:$0x3FD9]  }
0x89: {  	s3 =	sld [smem:$0x3FFE];
	_ =	sdelay $0x1  }
0x8a: {  	s1 =	srdreg.scid  }
0x8b: {  	s0 =	sand.u32 $0x1, s1  }
0x8c: {  	s17 =	sshll.u32 s0, $0xA;
	s2 =	sadd.s32 s3, s2  }
0x8d: {  	s2 =	sadd.s32 s2, s17  }
0x8e: {  	[smem:$0x3FC6] =	sst s2  }
0x8f: {  	_ = 	snop  }
0x90: {  	s2 =	sld [smem:$0x3FD0];
	(tm) =	ssettm $0x1  }
0x91: {  	s18 =	sld [smem:$0x3FFB];
	_ =	sdelay $0x3  }
0x92: {  	_ =	strace s18  }
0x93: {  	s3 =	sld [smem:$0x3FFC];
	_ =	sdelay $0x3  }
0x94: {  	_ =	strace s3  }
0x95: {  	s3 =	sld [smem:$0x3FFD];
	_ =	sdelay $0x3  }
0x96: {  	_ =	strace s3  }
0x97: {  	_ =	strace $0x8FFFFFFF  }
0x98: {  	s19 =	sld [smem:$0x3FDB];
	_ =	sdelay $0x1  }
0x99: {  	s4 =	simm.s32 $_scs_section_size  }
0x9a: {  	s5 =	simm.s32 $_size__tile_overlayer_lowered;
	s6 =	simm.s32 $_tile_overlayer_lowered  }
0x9b: {  	s22 =	simm.s32 $0x1BFF;
	s21 =	sshll.u32 s6, $0x1;
	s3 =	sadd.s32 s4, s19  }
0x9c: {  	s7 =	simm.s32 $0x0;
	s20 =	sshll.u32 s5, $0x1;
	s5 =	sadd.s32 s21, s3  }
0x9d: {  	[timem:s7], [sflag:s22] =	dma.local [hbm:s5], s20  }
0x9e: {  	_ =	swait.ge [sflag:s22], s20  }
0x9f: {  	s4 =	ssub.s32 $0x0, s20;
	[sflag:s22] =	ssyncset.done $0x0  }
0xa0: {  	[sflag:s22] =	ssyncadd.s32 s4;
	_ =	sdelay $0x1  }
0xa1: {  	s23 =	simm.s32 $0x1B8B  }
0xa2: {  	_ =	swait.ge [sflag:s23], $0x1  }
0xa3: {  	[sflag:s23] =	ssyncset.done $0x0  }
0xa4: {  	s25 =	simm.s32 $0x1B8E;
	s24 =	sld [smem:$0x3FFE];
	[sflag:s23] =	ssyncadd.s32 $0xFFFFFFFF  }
0xa5: {  	s26 =	simm.s32 $execute0_lowered;
	[smem:$0x3FD2] =	sst s25  }
0xa6: {  	s5 =	sshll.u32 s26, $0x1;
	_ =	strace $0x80000046;
	[dreg:$0x1] =	wrdreg $0xFFFFFFFF  }
0xa7: {  	s28 =	simm.s32 $_size_execute0_lowered;
	s3 =	sadd.s32 s3, s5;
	[dreg:$0x0] =	wrdreg $0x0  }
0xa8: {  	s5 =	sshll.u32 s28, $0x1;
	[dreg:$0x2] =	wrdreg s3  }
0xa9: {  	[dreg:$0x3] =	wrdreg s5  }
0xaa: {  	[dreg:$0x4] =	wrdreg $0xC0  }
0xab: {  	_ =	task [dreg:s7], $0x5FFFF  }
0xac: {  	[dreg:$0x1] =	wrdreg $0xFFFFFFFF  }
0xad: {  	[dreg:$0x0] =	wrdreg $0x60  }
0xae: {  	[dreg:$0x2] =	wrdreg s24  }
0xaf: {  	[dreg:$0x3] =	wrdreg s2  }
0xb0: {  	[dreg:$0x4] =	wrdreg $0x9  }
0xb1: {  	_ =	task.clear_ibuf [dreg:s7], $0x5FFFF;
	_ =	strace $0x90000046  }
0xb2: {  	s29 =	simm.s32 $0x9;
	_ =	strace $0x80000048  }
0xb3: {  	_ =	swait.ge [sflag:s29], $0x1  }
0xb4: {  	[sflag:s29] =	ssyncadd.s32 $0xFFFFFFFF  }
0xb5: {  	_ =	strace $0x90000048  }
0xb6: {  	_ =	sfence  }
0xb7: {  	s30 =	sld [smem:$0x0];
	_ =	sdelay $0x2  }
0xb8: {  	s31 =	sshll.u32 s1, $0xD;
	s1 =	sshrl.u32 s1, $0x2  }
0xb9: {  	s3 =	sand.u32 $0x4000, s31;
	s1 =	sadd.s32 s1, s30  }
0xba: {  	s0 =	sor.u32 s3, s0;
	s1 =	sshll.u32 s1, $0x11  }
0xbb: {  	s0 =	sor.u32 s1, s0  }
0xbc: {  	s0 =	sadd.s32 $0x8F2B, s0  }
0xbd: {  	[sflag:s0] =	ssyncadd.remote.s32 $0x1  }
0xbe: {  	_ =	sfence.sel $0xFFFF  }
0xbf: {  	[dreg:$0x0] =	wrdreg $0xFFFFFFFF;
	(pc) =	sbr.abs _section_cstart, $3  }
0xc0: {  	[dreg:$0x1] =	wrdreg $0xFFFFFFFF  }
0xc1: {  	_ =	task.clear_ibuf [dreg:s7], $0x2FFFF;
	_ =	strace $0x9FFFFFFF  }
0xc2: {  	(tm) =	ssettm $0x7FFFFFFF  }
0xc3: {  	_ =	shalt  }
tec
execute0_lowered:
.L_overlay_start_1:
0x0: {  	(tag) =	ssettag $0x1  }
0x1: {  	s0 =	srdreg.scid  }
0x2: {  	s2 =	stileid.u32;
	s1 =	rddreg [dreg:$0x0];
	s8 =	simm.s32 $0x9  }
0x3: {  	s9 =	simm.s32 $0x80;
	s10 =	simm.s32 $0x6400;
	s12 =	simm.s32 $0xA400  }
0x4: {  	s13 =	simm.s32 $0xC400;
	s14 =	simm.s32 $0x1;
	s15 =	simm.s32 $0xE400  }
0x5: {  	s16 =	simm.s32 $0x10400;
	s17 =	simm.s32 $0x2;
	s18 =	simm.s32 $0x12400  }
0x6: {  	s19 =	simm.s32 $0x14400;
	s20 =	simm.s32 $0x3;
	s21 =	simm.s32 $0x4  }
0x7: {  	s22 =	simm.s32 $0x5;
	s23 =	simm.s32 $0x6;
	s24 =	simm.s32 $0x7  }
0x8: {  	s25 =	simm.s32 $0x8;
	s0 =	sand.u32 $0x1, s0;
	s3 =	sshll.u32 s2, $0x1  }
0x9: {  	s26 =	simm.s32 $0x0;
	s2 =	rddreg [dreg:$0x1];
	s6 =	sor.u32 s0, s3  }
0xa: {  	s3 =	simm.s32 $0x0;
	s0 =	ssub.s32 $0x2, s0;
	s4 =	smul.u32 $0xC80, s6  }
0xb: {  	[smem:$0x7FF] =	sst s3;
	s7 =	sshrl.u32 s0, $0x1;
	s6 =	smul.u32 $0x190000, s6  }
0xc: {  	_ =	strace $0x80000047;
	s0 =	ssub.s32 s0, s7;
	s5 =	sadd.s32 s4, s1  }
0xd: {  	s4 =	sadd.s32 $0xF42E00, s1;
	s7 =	smax.u32 s0, $0x1;
	s5 =	sadd.s32 $0xA00, s5  }
.LBB2_1:
0xe: {  	[tilespmem:s3], [sflag:$0x9] =	stream.linear.gather [hbm4b:s5+s3], $0x6400, $0x38;
	[tilespmem:$0x16400] =	vst v63  }
0xf: {  	_ =	swait.ge [sflag:s8], $0x6400  }
0x10: {  	[sflag:s8] =	ssyncset.done $0x0  }
0x11: {  	[sflag:s8] =	ssyncadd.s32 $0xFFFF9C00  }
0x12: {  	[tilespmem:s10], [sflag:$0x1] =	stream.indirect.gather [hbm4b:s4+s9], $0x40, s3, s9, $0xb8;
	[tilespmem:$0x16400] =	vst v63  }
0x13: {  	s0 =	simm.s32 $0x8400;
	s28 =	simm.s32 $0x0  }
0x14: {  	[tilespmem:s0], [sflag:$0x1] =	stream.indirect.gather [hbm4b:s4+s9], $0x40, s9, s9, $0xb8;
	[tilespmem:$0x16400] =	vst v63  }
.LBB2_2:
0x15: {  	p0 =	seq.s32 s28, $0x0  }
0x16: {  	s29 =	sshll.u32 s28, $0x2;
	s0 =	simm.s32 @!p0 $0x6  }
0x17: {  	s30 =	sor.u32 $0x1, s29;
	_ =	swait.ge @!p0 [sflag:s0], $0x4000  }
0x18: {  	s1 =	sshll.u32 s30, $0x8;
	[sflag:s0] =	ssyncset.done @!p0 $0x0  }
0x19: {  	s11 =	sand.u32 $0x3FFFFF00, s1;
	[sflag:s0] =	ssyncadd.s32 @!p0 $0xFFFFC000  }
0x1a: {  	[tilespmem:s12], [sflag:$0x2] =	stream.indirect.gather [hbm4b:s4+s9], $0x40, s11, s9, $0xb8;
	[tilespmem:$0x16400] =	vst v63  }
0x1b: {  	s0 =	sor.u32 $0x80, s11  }
0x1c: {  	[tilespmem:s13], [sflag:$0x2] =	stream.indirect.gather [hbm4b:s4+s9], $0x40, s0, s9, $0xb8;
	[tilespmem:$0x16400] =	vst v63  }
0x1d: {  	_ =	swait.ge [sflag:s14], $0x4000  }
0x1e: {  	[sflag:s14] =	ssyncset.done $0x0  }
0x1f: {  	s31 =	simm.s32 $0x6480;
	[sflag:s14] =	ssyncadd.s32 $0xFFFFC000  }
0x20: {  	v0 =	vld [tilespmem:s31+$0x70]  }
0x21: {  	v1 =	vld [tilespmem:s31+$0xFFFFFF90]  }
0x22: {  	v2 =	vld [tilespmem:s31+$0xFFFFFFA0]  }
0x23: {  	v3 =	vld [tilespmem:s31+$0xFFFFFFB0]  }
0x24: {  	v4 =	vld [tilespmem:s31+$0xFFFFFFC0]  }
0x25: {  	v5 =	vld [tilespmem:s31+$0xFFFFFFD0];
	v0 =	vmul.f32 $8.000000000e+00, v0  }
0x26: {  	v6 =	vld [tilespmem:s31+$0xFFFFFFE0];
	v1 =	vmul.f32 $8.000000000e+00, v1  }
0x27: {  	v7 =	vld [tilespmem:s31+$0xFFFFFFF0];
	v2 =	vmul.f32 $8.000000000e+00, v2;
	[tilespmem:s31+$0x70] =	vst v0  }
0x28: {  	[tilespmem:s31+$0xFFFFFF90] =	vst v1;
	v0 =	vmul.f32 $8.000000000e+00, v3;
	v3 =	vld [tilespmem:s31+$0x0]  }
0x29: {  	[tilespmem:s31+$0xFFFFFFA0] =	vst v2;
	v1 =	vmul.f32 $8.000000000e+00, v4;
	v4 =	vld [tilespmem:s31+$0x10]  }
0x2a: {  	v8 =	vld [tilespmem:s31+$0x20];
	v2 =	vmul.f32 $8.000000000e+00, v5;
	[tilespmem:s31+$0xFFFFFFB0] =	vst v0  }
0x2b: {  	v5 =	vmul.f32 $8.000000000e+00, v6;
	[tilespmem:s31+$0xFFFFFFC0] =	vst v1;
	v0 =	vld [tilespmem:s31+$0x30]  }
0x2c: {  	v6 =	vmul.f32 $8.000000000e+00, v7;
	[tilespmem:s31+$0xFFFFFFD0] =	vst v2;
	v1 =	vld [tilespmem:s31+$0x40]  }
0x2d: {  	[tilespmem:s31+$0xFFFFFFE0] =	vst v5;
	v2 =	vld [tilespmem:s31+$0x50];
	v7 =	vmul.f32 $8.000000000e+00, v3  }
0x2e: {  	[tilespmem:s31+$0xFFFFFFF0] =	vst v6;
	v3 =	vld [tilespmem:s31+$0x60];
	v5 =	vmul.f32 $8.000000000e+00, v4  }
0x2f: {  	s1 =	simm.s32 $0x0;
	s0 =	simm.s32 $0x6580;
	v6 =	vmul.f32 $8.000000000e+00, v8;
	v4 =	vld [tilespmem:s31+$0xFFFFFF80];
	[tilespmem:s31+$0x0] =	vst v7  }
.LBB2_3:
0x30: {  	v7 =	vld [tilespmem:s0+$0x70];
	s1 =	sadd.s32 $0x4, s1;
	[tilespmem:s31+$0x10] =	vst v5;
	v0 =	vmul.f32 $8.000000000e+00, v0  }
0x31: {  	v5 =	vld [tilespmem:s0+$0xFFFFFF90];
	p1 =	slt.u32 s1, $0xFC;
	[tilespmem:s31+$0x20] =	vst v6;
	v1 =	vmul.f32 $8.000000000e+00, v1  }
0x32: {  	v6 =	vld [tilespmem:s0+$0xFFFFFFA0];
	[tilespmem:s31+$0x30] =	vst v0;
	v0 =	vmul.f32 $8.000000000e+00, v2  }
0x33: {  	v2 =	vld [tilespmem:s0+$0xFFFFFFB0];
	[tilespmem:s31+$0x40] =	vst v1;
	v1 =	vmul.f32 $8.000000000e+00, v3  }
0x34: {  	v3 =	vld [tilespmem:s0+$0xFFFFFFC0];
	v4 =	vmul.f32 $8.000000000e+00, v4;
	[tilespmem:s31+$0x50] =	vst v0  }
0x35: {  	v0 =	vld [tilespmem:s0+$0xFFFFFFD0];
	v7 =	vmul.f32 $8.000000000e+00, v7;
	[tilespmem:s31+$0x60] =	vst v1  }
0x36: {  	v1 =	vmul.f32 $8.000000000e+00, v5;
	v5 =	vld [tilespmem:s0+$0xFFFFFFE0];
	[tilespmem:s31+$0xFFFFFF80] =	vst v4;
	s31 =	smov.u32 s0  }
0x37: {  	v4 =	vmul.f32 $8.000000000e+00, v6;
	v6 =	vld [tilespmem:s0+$0xFFFFFFF0];
	[tilespmem:s0+$0x70] =	vst v7  }
0x38: {  	[tilespmem:s0+$0xFFFFFF90] =	vst v1;
	v1 =	vmul.f32 $8.000000000e+00, v2;
	v2 =	vld [tilespmem:s0+$0x0]  }
0x39: {  	[tilespmem:s0+$0xFFFFFFA0] =	vst v4;
	v3 =	vmul.f32 $8.000000000e+00, v3;
	v4 =	vld [tilespmem:s0+$0x10]  }
0x3a: {  	[tilespmem:s0+$0xFFFFFFB0] =	vst v1;
	v1 =	vmul.f32 $8.000000000e+00, v0;
	v7 =	vld [tilespmem:s0+$0x20]  }
.Ltmp0:
0x3b: {  	[tilespmem:s0+$0xFFFFFFC0] =	vst v3;
	v3 =	vmul.f32 $8.000000000e+00, v5;
	v0 =	vld [tilespmem:s0+$0x30];
	(pc) =	sbr.rel @p1 .LBB2_3-.Ltmp0, $4  }
0x3c: {  	[tilespmem:s0+$0xFFFFFFD0] =	vst v1;
	v5 =	vmul.f32 $8.000000000e+00, v6;
	v1 =	vld [tilespmem:s0+$0x40]  }
0x3d: {  	[tilespmem:s0+$0xFFFFFFE0] =	vst v3;
	v6 =	vmul.f32 $8.000000000e+00, v2;
	v2 =	vld [tilespmem:s0+$0x50]  }
0x3e: {  	[tilespmem:s0+$0xFFFFFFF0] =	vst v5;
	v5 =	vmul.f32 $8.000000000e+00, v4;
	v3 =	vld [tilespmem:s0+$0x60]  }
0x3f: {  	s0 =	sadd.s32 $0x100, s0;
	v4 =	vld [tilespmem:s31+$0xFFFFFF80];
	[tilespmem:s31+$0x0] =	vst v6;
	v6 =	vmul.f32 $8.000000000e+00, v7  }
0x40: {  	[tilespmem:s31+$0x10] =	vst v5;
	v0 =	vmul.f32 $8.000000000e+00, v0  }
0x41: {  	[tilespmem:s31+$0x20] =	vst v6;
	v1 =	vmul.f32 $8.000000000e+00, v1  }
0x42: {  	[tilespmem:s31+$0x30] =	vst v0;
	v0 =	vmul.f32 $8.000000000e+00, v2  }
0x43: {  	s0 =	sshll.u32 s28, $0x10;
	[tilespmem:s31+$0x40] =	vst v1;
	v1 =	vmul.f32 $8.000000000e+00, v3  }
0x44: {  	s0 =	sadd.s32 s6, s0;
	v2 =	vmul.f32 $8.000000000e+00, v4;
	[tilespmem:s31+$0x50] =	vst v0  }
0x45: {  	s0 =	sshrl.u32 s0, $0x3;
	[tilespmem:s31+$0x60] =	vst v1  }
0x46: {  	s0 =	sadd.s32 s2, s0;
	[tilespmem:s31+$0xFFFFFF80] =	vst v2  }
0x47: {  	[hbm4b:s0+s3] =	stream.linear.scatter [tilespmem:s10], [sflag:$0x5], $0x4000, $0x38;
	[tilespmem:$0x16400] =	vst v63  }
0x48: {  	s0 =	simm.s32 @!p0 $0x7  }
0x49: {  	s31 =	sor.u32 $0x2, s29;
	_ =	swait.ge @!p0 [sflag:s0], $0x4000  }
0x4a: {  	s1 =	sshll.u32 s31, $0x8;
	[sflag:s0] =	ssyncset.done @!p0 $0x0  }
0x4b: {  	s11 =	sand.u32 $0x3FFFFF00, s1;
	[sflag:s0] =	ssyncadd.s32 @!p0 $0xFFFFC000  }
0x4c: {  	[tilespmem:s15], [sflag:$0x3] =	stream.indirect.gather [hbm4b:s4+s9], $0x40, s11, s9, $0xb8;
	[tilespmem:$0x16400] =	vst v63  }
0x4d: {  	s0 =	sor.u32 $0x80, s11  }
0x4e: {  	[tilespmem:s16], [sflag:$0x3] =	stream.indirect.gather [hbm4b:s4+s9], $0x40, s0, s9, $0xb8;
	[tilespmem:$0x16400] =	vst v63  }
0x4f: {  	_ =	swait.ge [sflag:s17], $0x4000  }
0x50: {  	[sflag:s17] =	ssyncset.done $0x0  }
0x51: {  	s1 =	simm.s32 $0xA480;
	[sflag:s17] =	ssyncadd.s32 $0xFFFFC000  }
0x52: {  	v0 =	vld [tilespmem:s1+$0x70]  }
0x53: {  	v1 =	vld [tilespmem:s1+$0xFFFFFF90]  }
0x54: {  	v2 =	vld [tilespmem:s1+$0xFFFFFFA0]  }
0x55: {  	v3 =	vld [tilespmem:s1+$0xFFFFFFB0]  }
0x56: {  	v4 =	vld [tilespmem:s1+$0xFFFFFFC0]  }
0x57: {  	v5 =	vld [tilespmem:s1+$0xFFFFFFD0];
	v0 =	vmul.f32 $8.000000000e+00, v0  }
0x58: {  	v6 =	vld [tilespmem:s1+$0xFFFFFFE0];
	v1 =	vmul.f32 $8.000000000e+00, v1  }
0x59: {  	v7 =	vld [tilespmem:s1+$0xFFFFFFF0];
	v2 =	vmul.f32 $8.000000000e+00, v2;
	[tilespmem:s1+$0x70] =	vst v0  }
0x5a: {  	[tilespmem:s1+$0xFFFFFF90] =	vst v1;
	v0 =	vmul.f32 $8.000000000e+00, v3;
	v3 =	vld [tilespmem:s1+$0x0]  }
0x5b: {  	[tilespmem:s1+$0xFFFFFFA0] =	vst v2;
	v1 =	vmul.f32 $8.000000000e+00, v4;
	v4 =	vld [tilespmem:s1+$0x10]  }
0x5c: {  	v8 =	vld [tilespmem:s1+$0x20];
	v2 =	vmul.f32 $8.000000000e+00, v5;
	[tilespmem:s1+$0xFFFFFFB0] =	vst v0  }
0x5d: {  	v5 =	vmul.f32 $8.000000000e+00, v6;
	[tilespmem:s1+$0xFFFFFFC0] =	vst v1;
	v0 =	vld [tilespmem:s1+$0x30]  }
0x5e: {  	v6 =	vmul.f32 $8.000000000e+00, v7;
	[tilespmem:s1+$0xFFFFFFD0] =	vst v2;
	v1 =	vld [tilespmem:s1+$0x40]  }
0x5f: {  	[tilespmem:s1+$0xFFFFFFE0] =	vst v5;
	v2 =	vld [tilespmem:s1+$0x50];
	v7 =	vmul.f32 $8.000000000e+00, v3  }
0x60: {  	[tilespmem:s1+$0xFFFFFFF0] =	vst v6;
	v3 =	vld [tilespmem:s1+$0x60];
	v5 =	vmul.f32 $8.000000000e+00, v4  }
0x61: {  	s11 =	simm.s32 $0xA580;
	s0 =	simm.s32 $0x0;
	v6 =	vmul.f32 $8.000000000e+00, v8;
	v4 =	vld [tilespmem:s1+$0xFFFFFF80];
	[tilespmem:s1+$0x0] =	vst v7  }
.LBB2_5:
0x62: {  	v7 =	vld [tilespmem:s11+$0x70];
	s0 =	sadd.s32 $0x4, s0;
	[tilespmem:s1+$0x10] =	vst v5;
	v0 =	vmul.f32 $8.000000000e+00, v0  }
0x63: {  	v5 =	vld [tilespmem:s11+$0xFFFFFF90];
	p1 =	slt.u32 s0, $0xFC;
	[tilespmem:s1+$0x20] =	vst v6;
	v1 =	vmul.f32 $8.000000000e+00, v1  }
0x64: {  	v6 =	vld [tilespmem:s11+$0xFFFFFFA0];
	[tilespmem:s1+$0x30] =	vst v0;
	v0 =	vmul.f32 $8.000000000e+00, v2  }
0x65: {  	v2 =	vld [tilespmem:s11+$0xFFFFFFB0];
	[tilespmem:s1+$0x40] =	vst v1;
	v1 =	vmul.f32 $8.000000000e+00, v3  }
0x66: {  	v3 =	vld [tilespmem:s11+$0xFFFFFFC0];
	v4 =	vmul.f32 $8.000000000e+00, v4;
	[tilespmem:s1+$0x50] =	vst v0  }
0x67: {  	v0 =	vld [tilespmem:s11+$0xFFFFFFD0];
	v7 =	vmul.f32 $8.000000000e+00, v7;
	[tilespmem:s1+$0x60] =	vst v1  }
0x68: {  	v1 =	vmul.f32 $8.000000000e+00, v5;
	v5 =	vld [tilespmem:s11+$0xFFFFFFE0];
	[tilespmem:s1+$0xFFFFFF80] =	vst v4;
	s1 =	smov.u32 s11  }
0x69: {  	v4 =	vmul.f32 $8.000000000e+00, v6;
	v6 =	vld [tilespmem:s11+$0xFFFFFFF0];
	[tilespmem:s11+$0x70] =	vst v7  }
0x6a: {  	[tilespmem:s11+$0xFFFFFF90] =	vst v1;
	v1 =	vmul.f32 $8.000000000e+00, v2;
	v2 =	vld [tilespmem:s11+$0x0]  }
0x6b: {  	[tilespmem:s11+$0xFFFFFFA0] =	vst v4;
	v3 =	vmul.f32 $8.000000000e+00, v3;
	v4 =	vld [tilespmem:s11+$0x10]  }
0x6c: {  	[tilespmem:s11+$0xFFFFFFB0] =	vst v1;
	v1 =	vmul.f32 $8.000000000e+00, v0;
	v7 =	vld [tilespmem:s11+$0x20]  }
.Ltmp1:
0x6d: {  	[tilespmem:s11+$0xFFFFFFC0] =	vst v3;
	v3 =	vmul.f32 $8.000000000e+00, v5;
	v0 =	vld [tilespmem:s11+$0x30];
	(pc) =	sbr.rel @p1 .LBB2_5-.Ltmp1, $4  }
0x6e: {  	[tilespmem:s11+$0xFFFFFFD0] =	vst v1;
	v5 =	vmul.f32 $8.000000000e+00, v6;
	v1 =	vld [tilespmem:s11+$0x40]  }
0x6f: {  	[tilespmem:s11+$0xFFFFFFE0] =	vst v3;
	v6 =	vmul.f32 $8.000000000e+00, v2;
	v2 =	vld [tilespmem:s11+$0x50]  }
0x70: {  	[tilespmem:s11+$0xFFFFFFF0] =	vst v5;
	v5 =	vmul.f32 $8.000000000e+00, v4;
	v3 =	vld [tilespmem:s11+$0x60]  }
0x71: {  	s11 =	sadd.s32 $0x100, s11;
	v4 =	vld [tilespmem:s1+$0xFFFFFF80];
	[tilespmem:s1+$0x0] =	vst v6;
	v6 =	vmul.f32 $8.000000000e+00, v7  }
0x72: {  	[tilespmem:s1+$0x10] =	vst v5;
	v0 =	vmul.f32 $8.000000000e+00, v0  }
0x73: {  	[tilespmem:s1+$0x20] =	vst v6;
	v1 =	vmul.f32 $8.000000000e+00, v1  }
0x74: {  	[tilespmem:s1+$0x30] =	vst v0;
	v0 =	vmul.f32 $8.000000000e+00, v2  }
0x75: {  	s0 =	sshll.u32 s30, $0xE;
	[tilespmem:s1+$0x40] =	vst v1;
	v1 =	vmul.f32 $8.000000000e+00, v3  }
0x76: {  	s0 =	sadd.s32 s6, s0;
	v2 =	vmul.f32 $8.000000000e+00, v4;
	[tilespmem:s1+$0x50] =	vst v0  }
0x77: {  	s0 =	sshrl.u32 s0, $0x3;
	[tilespmem:s1+$0x60] =	vst v1  }
0x78: {  	s0 =	sadd.s32 s2, s0;
	[tilespmem:s1+$0xFFFFFF80] =	vst v2  }
0x79: {  	[hbm4b:s0+s3] =	stream.linear.scatter [tilespmem:s12], [sflag:$0x6], $0x4000, $0x38;
	[tilespmem:$0x16400] =	vst v63  }
0x7a: {  	s0 =	simm.s32 @!p0 $0x8  }
0x7b: {  	s29 =	sor.u32 $0x3, s29;
	_ =	swait.ge @!p0 [sflag:s0], $0x4000  }
0x7c: {  	s11 =	sshll.u32 s29, $0x8;
	[sflag:s0] =	ssyncset.done @!p0 $0x0  }
0x7d: {  	s30 =	sand.u32 $0x3FFFFF00, s11;
	[sflag:s0] =	ssyncadd.s32 @!p0 $0xFFFFC000  }
0x7e: {  	[tilespmem:s18], [sflag:$0x4] =	stream.indirect.gather [hbm4b:s4+s9], $0x40, s30, s9, $0xb8;
	[tilespmem:$0x16400] =	vst v63  }
0x7f: {  	s0 =	sor.u32 $0x80, s30  }
0x80: {  	[tilespmem:s19], [sflag:$0x4] =	stream.indirect.gather [hbm4b:s4+s9], $0x40, s0, s9, $0xb8;
	[tilespmem:$0x16400] =	vst v63  }
0x81: {  	_ =	swait.ge [sflag:s20], $0x4000  }
0x82: {  	[sflag:s20] =	ssyncset.done $0x0  }
0x83: {  	s1 =	simm.s32 $0xE480;
	[sflag:s20] =	ssyncadd.s32 $0xFFFFC000  }
0x84: {  	v0 =	vld [tilespmem:s1+$0x70]  }
0x85: {  	v1 =	vld [tilespmem:s1+$0xFFFFFF90]  }
0x86: {  	v2 =	vld [tilespmem:s1+$0xFFFFFFA0]  }
0x87: {  	v3 =	vld [tilespmem:s1+$0xFFFFFFB0]  }
0x88: {  	v4 =	vld [tilespmem:s1+$0xFFFFFFC0]  }
0x89: {  	v5 =	vld [tilespmem:s1+$0xFFFFFFD0];
	v0 =	vmul.f32 $8.000000000e+00, v0  }
0x8a: {  	v6 =	vld [tilespmem:s1+$0xFFFFFFE0];
	v1 =	vmul.f32 $8.000000000e+00, v1  }
0x8b: {  	v7 =	vld [tilespmem:s1+$0xFFFFFFF0];
	v2 =	vmul.f32 $8.000000000e+00, v2;
	[tilespmem:s1+$0x70] =	vst v0  }
0x8c: {  	[tilespmem:s1+$0xFFFFFF90] =	vst v1;
	v0 =	vmul.f32 $8.000000000e+00, v3;
	v3 =	vld [tilespmem:s1+$0x0]  }
0x8d: {  	[tilespmem:s1+$0xFFFFFFA0] =	vst v2;
	v1 =	vmul.f32 $8.000000000e+00, v4;
	v4 =	vld [tilespmem:s1+$0x10]  }
0x8e: {  	v8 =	vld [tilespmem:s1+$0x20];
	v2 =	vmul.f32 $8.000000000e+00, v5;
	[tilespmem:s1+$0xFFFFFFB0] =	vst v0  }
0x8f: {  	v5 =	vmul.f32 $8.000000000e+00, v6;
	[tilespmem:s1+$0xFFFFFFC0] =	vst v1;
	v0 =	vld [tilespmem:s1+$0x30]  }
0x90: {  	v6 =	vmul.f32 $8.000000000e+00, v7;
	[tilespmem:s1+$0xFFFFFFD0] =	vst v2;
	v1 =	vld [tilespmem:s1+$0x40]  }
0x91: {  	[tilespmem:s1+$0xFFFFFFE0] =	vst v5;
	v2 =	vld [tilespmem:s1+$0x50];
	v7 =	vmul.f32 $8.000000000e+00, v3  }
0x92: {  	[tilespmem:s1+$0xFFFFFFF0] =	vst v6;
	v3 =	vld [tilespmem:s1+$0x60];
	v5 =	vmul.f32 $8.000000000e+00, v4  }
0x93: {  	s11 =	simm.s32 $0xE580;
	s0 =	simm.s32 $0x0;
	v6 =	vmul.f32 $8.000000000e+00, v8;
	v4 =	vld [tilespmem:s1+$0xFFFFFF80];
	[tilespmem:s1+$0x0] =	vst v7  }
.LBB2_7:
0x94: {  	v7 =	vld [tilespmem:s11+$0x70];
	s0 =	sadd.s32 $0x4, s0;
	[tilespmem:s1+$0x10] =	vst v5;
	v0 =	vmul.f32 $8.000000000e+00, v0  }
0x95: {  	v5 =	vld [tilespmem:s11+$0xFFFFFF90];
	p0 =	slt.u32 s0, $0xFC;
	[tilespmem:s1+$0x20] =	vst v6;
	v1 =	vmul.f32 $8.000000000e+00, v1  }
0x96: {  	v6 =	vld [tilespmem:s11+$0xFFFFFFA0];
	[tilespmem:s1+$0x30] =	vst v0;
	v0 =	vmul.f32 $8.000000000e+00, v2  }
0x97: {  	v2 =	vld [tilespmem:s11+$0xFFFFFFB0];
	[tilespmem:s1+$0x40] =	vst v1;
	v1 =	vmul.f32 $8.000000000e+00, v3  }
0x98: {  	v3 =	vld [tilespmem:s11+$0xFFFFFFC0];
	v4 =	vmul.f32 $8.000000000e+00, v4;
	[tilespmem:s1+$0x50] =	vst v0  }
0x99: {  	v0 =	vld [tilespmem:s11+$0xFFFFFFD0];
	v7 =	vmul.f32 $8.000000000e+00, v7;
	[tilespmem:s1+$0x60] =	vst v1  }
0x9a: {  	v1 =	vmul.f32 $8.000000000e+00, v5;
	v5 =	vld [tilespmem:s11+$0xFFFFFFE0];
	[tilespmem:s1+$0xFFFFFF80] =	vst v4;
	s1 =	smov.u32 s11  }
0x9b: {  	v4 =	vmul.f32 $8.000000000e+00, v6;
	v6 =	vld [tilespmem:s11+$0xFFFFFFF0];
	[tilespmem:s11+$0x70] =	vst v7  }
0x9c: {  	[tilespmem:s11+$0xFFFFFF90] =	vst v1;
	v1 =	vmul.f32 $8.000000000e+00, v2;
	v2 =	vld [tilespmem:s11+$0x0]  }
0x9d: {  	[tilespmem:s11+$0xFFFFFFA0] =	vst v4;
	v3 =	vmul.f32 $8.000000000e+00, v3;
	v4 =	vld [tilespmem:s11+$0x10]  }
0x9e: {  	[tilespmem:s11+$0xFFFFFFB0] =	vst v1;
	v1 =	vmul.f32 $8.000000000e+00, v0;
	v7 =	vld [tilespmem:s11+$0x20]  }
.Ltmp2:
0x9f: {  	[tilespmem:s11+$0xFFFFFFC0] =	vst v3;
	v3 =	vmul.f32 $8.000000000e+00, v5;
	v0 =	vld [tilespmem:s11+$0x30];
	(pc) =	sbr.rel @p0 .LBB2_7-.Ltmp2, $4  }
0xa0: {  	[tilespmem:s11+$0xFFFFFFD0] =	vst v1;
	v5 =	vmul.f32 $8.000000000e+00, v6;
	v1 =	vld [tilespmem:s11+$0x40]  }
0xa1: {  	[tilespmem:s11+$0xFFFFFFE0] =	vst v3;
	v6 =	vmul.f32 $8.000000000e+00, v2;
	v2 =	vld [tilespmem:s11+$0x50]  }
0xa2: {  	[tilespmem:s11+$0xFFFFFFF0] =	vst v5;
	v5 =	vmul.f32 $8.000000000e+00, v4;
	v3 =	vld [tilespmem:s11+$0x60]  }
0xa3: {  	s11 =	sadd.s32 $0x100, s11;
	v4 =	vld [tilespmem:s1+$0xFFFFFF80];
	[tilespmem:s1+$0x0] =	vst v6;
	v6 =	vmul.f32 $8.000000000e+00, v7  }
0xa4: {  	[tilespmem:s1+$0x10] =	vst v5;
	v0 =	vmul.f32 $8.000000000e+00, v0  }
0xa5: {  	[tilespmem:s1+$0x20] =	vst v6;
	v1 =	vmul.f32 $8.000000000e+00, v1  }
0xa6: {  	[tilespmem:s1+$0x30] =	vst v0;
	v0 =	vmul.f32 $8.000000000e+00, v2  }
0xa7: {  	s0 =	sshll.u32 s31, $0xE;
	[tilespmem:s1+$0x40] =	vst v1;
	v1 =	vmul.f32 $8.000000000e+00, v3  }
0xa8: {  	s0 =	sadd.s32 s6, s0;
	v2 =	vmul.f32 $8.000000000e+00, v4;
	[tilespmem:s1+$0x50] =	vst v0  }
0xa9: {  	s0 =	sshrl.u32 s0, $0x3;
	[tilespmem:s1+$0x60] =	vst v1  }
0xaa: {  	p0 =	seq.s32 s28, $0x18;
	s0 =	sadd.s32 s2, s0;
	[tilespmem:s1+$0xFFFFFF80] =	vst v2  }
0xab: {  	[hbm4b:s0+s3] =	stream.linear.scatter [tilespmem:s15], [sflag:$0x7], $0x4000, $0x38;
	[tilespmem:$0x16400] =	vst v63  }
0xac: {  	s0 =	simm.s32 @!p0 $0x5  }
0xad: {  	_ =	swait.ge @!p0 [sflag:s0], $0x4000  }
0xae: {  	s1 =	sshll.u32 @!p0 s28, $0xA;
	[sflag:s0] =	ssyncset.done @!p0 $0x0  }
0xaf: {  	[sflag:s0] =	ssyncadd.s32 @!p0 $0xFFFFC000;
	s0 =	sand.u32 @!p0 $0x3FFFFC00, s1  }
0xb0: {  	s11 =	simm.s32 @!p0 $0x80;
	s30 =	simm.s32 @!p0 $0x6400;
	s1 =	sadd.s32 @!p0 $0x400, s0  }
0xb1: {  	[tilespmem:s30], [sflag:$0x1] =	stream.indirect.gather @!p0 [hbm4b:s4+s11], $0x40, s1, s11, $0xb8;
	[tilespmem:$0x16400] =	vst v63  }
0xb2: {  	s0 =	sadd.s32 @!p0 $0x480, s0;
	s1 =	simm.s32 @!p0 $0x8400  }
0xb3: {  	[tilespmem:s1], [sflag:$0x1] =	stream.indirect.gather @!p0 [hbm4b:s4+s11], $0x40, s0, s11, $0xb8;
	[tilespmem:$0x16400] =	vst v63  }
0xb4: {  	_ =	swait.ge [sflag:s21], $0x4000  }
0xb5: {  	[sflag:s21] =	ssyncset.done $0x0  }
0xb6: {  	s1 =	simm.s32 $0x12480;
	[sflag:s21] =	ssyncadd.s32 $0xFFFFC000  }
0xb7: {  	v0 =	vld [tilespmem:s1+$0x70]  }
0xb8: {  	v1 =	vld [tilespmem:s1+$0xFFFFFF90]  }
0xb9: {  	v2 =	vld [tilespmem:s1+$0xFFFFFFA0]  }
0xba: {  	v3 =	vld [tilespmem:s1+$0xFFFFFFB0]  }
0xbb: {  	v4 =	vld [tilespmem:s1+$0xFFFFFFC0]  }
0xbc: {  	v5 =	vld [tilespmem:s1+$0xFFFFFFD0];
	v0 =	vmul.f32 $8.000000000e+00, v0  }
0xbd: {  	v6 =	vld [tilespmem:s1+$0xFFFFFFE0];
	v1 =	vmul.f32 $8.000000000e+00, v1  }
0xbe: {  	v7 =	vld [tilespmem:s1+$0xFFFFFFF0];
	v2 =	vmul.f32 $8.000000000e+00, v2;
	[tilespmem:s1+$0x70] =	vst v0  }
0xbf: {  	[tilespmem:s1+$0xFFFFFF90] =	vst v1;
	v0 =	vmul.f32 $8.000000000e+00, v3;
	v3 =	vld [tilespmem:s1+$0x0]  }
0xc0: {  	[tilespmem:s1+$0xFFFFFFA0] =	vst v2;
	v1 =	vmul.f32 $8.000000000e+00, v4;
	v4 =	vld [tilespmem:s1+$0x10]  }
0xc1: {  	v8 =	vld [tilespmem:s1+$0x20];
	v2 =	vmul.f32 $8.000000000e+00, v5;
	[tilespmem:s1+$0xFFFFFFB0] =	vst v0  }
0xc2: {  	v5 =	vmul.f32 $8.000000000e+00, v6;
	[tilespmem:s1+$0xFFFFFFC0] =	vst v1;
	v0 =	vld [tilespmem:s1+$0x30]  }
0xc3: {  	v6 =	vmul.f32 $8.000000000e+00, v7;
	[tilespmem:s1+$0xFFFFFFD0] =	vst v2;
	v1 =	vld [tilespmem:s1+$0x40]  }
0xc4: {  	[tilespmem:s1+$0xFFFFFFE0] =	vst v5;
	v2 =	vld [tilespmem:s1+$0x50];
	v7 =	vmul.f32 $8.000000000e+00, v3  }
0xc5: {  	[tilespmem:s1+$0xFFFFFFF0] =	vst v6;
	v3 =	vld [tilespmem:s1+$0x60];
	v5 =	vmul.f32 $8.000000000e+00, v4  }
0xc6: {  	s0 =	simm.s32 $0x0;
	s11 =	simm.s32 $0x12580;
	v6 =	vmul.f32 $8.000000000e+00, v8;
	v4 =	vld [tilespmem:s1+$0xFFFFFF80];
	[tilespmem:s1+$0x0] =	vst v7  }
.LBB2_9:
0xc7: {  	v7 =	vld [tilespmem:s11+$0x70];
	s0 =	sadd.s32 $0x4, s0;
	[tilespmem:s1+$0x10] =	vst v5;
	v0 =	vmul.f32 $8.000000000e+00, v0  }
0xc8: {  	v5 =	vld [tilespmem:s11+$0xFFFFFF90];
	p0 =	slt.u32 s0, $0xFC;
	[tilespmem:s1+$0x20] =	vst v6;
	v1 =	vmul.f32 $8.000000000e+00, v1  }
0xc9: {  	v6 =	vld [tilespmem:s11+$0xFFFFFFA0];
	[tilespmem:s1+$0x30] =	vst v0;
	v0 =	vmul.f32 $8.000000000e+00, v2  }
0xca: {  	v2 =	vld [tilespmem:s11+$0xFFFFFFB0];
	[tilespmem:s1+$0x40] =	vst v1;
	v1 =	vmul.f32 $8.000000000e+00, v3  }
0xcb: {  	v3 =	vld [tilespmem:s11+$0xFFFFFFC0];
	v4 =	vmul.f32 $8.000000000e+00, v4;
	[tilespmem:s1+$0x50] =	vst v0  }
0xcc: {  	v0 =	vld [tilespmem:s11+$0xFFFFFFD0];
	v7 =	vmul.f32 $8.000000000e+00, v7;
	[tilespmem:s1+$0x60] =	vst v1  }
0xcd: {  	v1 =	vmul.f32 $8.000000000e+00, v5;
	v5 =	vld [tilespmem:s11+$0xFFFFFFE0];
	[tilespmem:s1+$0xFFFFFF80] =	vst v4;
	s1 =	smov.u32 s11  }
0xce: {  	v4 =	vmul.f32 $8.000000000e+00, v6;
	v6 =	vld [tilespmem:s11+$0xFFFFFFF0];
	[tilespmem:s11+$0x70] =	vst v7  }
0xcf: {  	[tilespmem:s11+$0xFFFFFF90] =	vst v1;
	v1 =	vmul.f32 $8.000000000e+00, v2;
	v2 =	vld [tilespmem:s11+$0x0]  }
0xd0: {  	[tilespmem:s11+$0xFFFFFFA0] =	vst v4;
	v3 =	vmul.f32 $8.000000000e+00, v3;
	v4 =	vld [tilespmem:s11+$0x10]  }
0xd1: {  	[tilespmem:s11+$0xFFFFFFB0] =	vst v1;
	v1 =	vmul.f32 $8.000000000e+00, v0;
	v7 =	vld [tilespmem:s11+$0x20]  }
.Ltmp3:
0xd2: {  	[tilespmem:s11+$0xFFFFFFC0] =	vst v3;
	v3 =	vmul.f32 $8.000000000e+00, v5;
	v0 =	vld [tilespmem:s11+$0x30];
	(pc) =	sbr.rel @p0 .LBB2_9-.Ltmp3, $4  }
0xd3: {  	[tilespmem:s11+$0xFFFFFFD0] =	vst v1;
	v5 =	vmul.f32 $8.000000000e+00, v6;
	v1 =	vld [tilespmem:s11+$0x40]  }
0xd4: {  	[tilespmem:s11+$0xFFFFFFE0] =	vst v3;
	v6 =	vmul.f32 $8.000000000e+00, v2;
	v2 =	vld [tilespmem:s11+$0x50]  }
0xd5: {  	[tilespmem:s11+$0xFFFFFFF0] =	vst v5;
	v5 =	vmul.f32 $8.000000000e+00, v4;
	v3 =	vld [tilespmem:s11+$0x60]  }
0xd6: {  	s11 =	sadd.s32 $0x100, s11;
	v4 =	vld [tilespmem:s1+$0xFFFFFF80];
	[tilespmem:s1+$0x0] =	vst v6;
	v6 =	vmul.f32 $8.000000000e+00, v7  }
0xd7: {  	[tilespmem:s1+$0x10] =	vst v5;
	v0 =	vmul.f32 $8.000000000e+00, v0  }
0xd8: {  	s28 =	sadd.s32 $0x1, s28;
	[tilespmem:s1+$0x20] =	vst v6;
	v1 =	vmul.f32 $8.000000000e+00, v1  }
0xd9: {  	p0 =	sne.s32 s28, $0x19;
	[tilespmem:s1+$0x30] =	vst v0;
	v61 =	vmul.f32 $8.000000000e+00, v2  }
.Ltmp4:
0xda: {  	s0 =	sshll.u32 s29, $0xE;
	[tilespmem:s1+$0x40] =	vst v1;
	v62 =	vmul.f32 $8.000000000e+00, v3;
	(pc) =	sbr.rel @p0 .LBB2_2-.Ltmp4, $4  }
0xdb: {  	s0 =	sadd.s32 s6, s0;
	v63 =	vmul.f32 $8.000000000e+00, v4;
	[tilespmem:s1+$0x50] =	vst v61  }
0xdc: {  	s0 =	sshrl.u32 s0, $0x3;
	[tilespmem:s1+$0x60] =	vst v62  }
0xdd: {  	s0 =	sadd.s32 s2, s0;
	[tilespmem:s1+$0xFFFFFF80] =	vst v63  }
0xde: {  	[hbm4b:s0+s3] =	stream.linear.scatter [tilespmem:s18], [sflag:$0x8], $0x4000, $0x38;
	[tilespmem:$0x16400] =	vst v63  }
0xdf: {  	_ =	swait.ge [sflag:s22], $0x4000  }
0xe0: {  	[sflag:s22] =	ssyncset.done $0x0  }
0xe1: {  	[sflag:s22] =	ssyncadd.s32 $0xFFFFC000  }
0xe2: {  	_ =	swait.ge [sflag:s23], $0x4000  }
0xe3: {  	[sflag:s23] =	ssyncset.done $0x0  }
0xe4: {  	s26 =	sadd.s32 $0x1, s26;
	[sflag:s23] =	ssyncadd.s32 $0xFFFFC000  }
0xe5: {  	p0 =	sne.s32 s26, s7;
	_ =	swait.ge [sflag:s24], $0x4000  }
.Ltmp5:
0xe6: {  	[sflag:s24] =	ssyncset.done $0x0;
	(pc) =	sbr.rel @p0 .LBB2_1-.Ltmp5, $4  }
0xe7: {  	[sflag:s24] =	ssyncadd.s32 $0xFFFFC000  }
0xe8: {  	_ =	swait.ge [sflag:s25], $0x4000  }
0xe9: {  	[sflag:s25] =	ssyncset.done $0x0  }
0xea: {  	[sflag:s25] =	ssyncadd.s32 $0xFFFFC000  }
0xeb: {  	_ =	sfence.sel $0x180000  }
0xec: {  	[bflag:$0x0] =	sbarrier.arrive $0xFFFF  }
0xed: {  	_ =	strace $0x90000047  }
0xee: {  	s0 =	stileid.u32;
	[bflag:$0x2] =	sbarrier.arrive $0xFFFF  }
0xef: {  	p0 =	sne.s32 s0, $0x0;
	s0 =	rddreg [dreg:$0x2]  }
0xf0: {  	s0 =	sadd.s32 @!p0 $0x100000, s0  }
0xf1: {  	[sflag:s0] =	ssyncadd.tile.s32 @!p0 $0x1;
	_ =	shalt  }
.Lfunc_end2:
_tile_overlayer_lowered:
.L_overlay_start_2:
0xf2: {  	(tag) =	ssettag $0x2  }
0xf3: {  	s0 =	rddreg [dreg:$0x0];
	s2 =	stileid.u32  }
0xf4: {  	s1 =	rddreg [dreg:$0x1];
	p0 =	sne.s32 s2, $0x0  }
0xf5: {  	s3 =	rddreg [dreg:$0x2];
	[bflag:$0x3] =	sbarrier.arrive $0xFFFF;
	s2 =	simm.s32 @!p0 $0x1C09  }
0xf6: {  	[timem:s3], [sflag:s2] =	dma.local @!p0 [hbm:s0], s1  }
0xf7: {  	s0 =	simm.s32 @!p0 $0x9  }
0xf8: {  	_ =	swait.ge @!p0 [sflag:s0], s1  }
0xf9: {  	s1 =	ssub.s32 @!p0 $0x0, s1;
	[sflag:s0] =	ssyncset.done @!p0 $0x0  }
0xfa: {  	[sflag:s0] =	ssyncadd.s32 @!p0 s1  }
0xfb: {  	[bflag:$0x3] =	sbarrier.arrive $0xFFFF  }
0xfc: {  	_ =	shalt  }

// kernel: sparse-core-data-format-call.cloned.1.call-start
scs
called_computation_lowered:
.L_overlay_start_0:
0x0: {  	s2 =	sld [smem:$0x3FD9]  }
0x1: {  	s3 =	sld [smem:$0x3FFE];
	_ =	sdelay $0x1  }
0x2: {  	s1 =	srdreg.scid  }
0x3: {  	s0 =	sand.u32 $0x1, s1  }
0x4: {  	s18 =	sshll.u32 s0, $0xA;
	s2 =	sadd.s32 s3, s2  }
0x5: {  	s2 =	sadd.s32 s2, s18  }
0x6: {  	[smem:$0x3FC6] =	sst s2  }
0x7: {  	_ = 	snop  }
0x8: {  	s2 =	sld [smem:$0x3FD0];
	(tm) =	ssettm $0x1  }
0x9: {  	s19 =	sld [smem:$0x3FFB];
	_ =	sdelay $0x3  }
0xa: {  	_ =	strace s19  }
0xb: {  	s3 =	sld [smem:$0x3FFC];
	_ =	sdelay $0x3  }
0xc: {  	_ =	strace s3  }
0xd: {  	s3 =	sld [smem:$0x3FFD];
	_ =	sdelay $0x3  }
0xe: {  	_ =	strace s3  }
0xf: {  	_ =	strace $0x8FFFFFFF  }
0x10: {  	s20 =	sld [smem:$0x3FDB];
	_ =	sdelay $0x1  }
0x11: {  	s4 =	simm.s32 $_scs_section_size  }
0x12: {  	s5 =	simm.s32 $_size__tile_overlayer_lowered;
	s6 =	simm.s32 $_tile_overlayer_lowered  }
0x13: {  	s23 =	simm.s32 $0x1BFF;
	s22 =	sshll.u32 s6, $0x1;
	s3 =	sadd.s32 s4, s20  }
0x14: {  	s7 =	simm.s32 $0x0;
	s21 =	sshll.u32 s5, $0x1;
	s5 =	sadd.s32 s22, s3  }
0x15: {  	[timem:s7], [sflag:s23] =	dma.local [hbm:s5], s21  }
0x16: {  	_ =	swait.ge [sflag:s23], s21  }
0x17: {  	s4 =	ssub.s32 $0x0, s21;
	[sflag:s23] =	ssyncset.done $0x0  }
0x18: {  	[sflag:s23] =	ssyncadd.s32 s4;
	_ =	sdelay $0x1  }
0x19: {  	s24 =	simm.s32 $0x1B8B  }
0x1a: {  	_ =	swait.ge [sflag:s24], $0x1  }
0x1b: {  	[sflag:s24] =	ssyncset.done $0x0  }
0x1c: {  	s26 =	simm.s32 $0x1B8E;
	s25 =	sld [smem:$0x3FFE];
	[sflag:s24] =	ssyncadd.s32 $0xFFFFFFFF  }
0x1d: {  	s27 =	simm.s32 $execute0_lowered;
	[smem:$0x3FD2] =	sst s26  }
0x1e: {  	s5 =	sshll.u32 s27, $0x1;
	_ =	strace $0x80000049;
	[dreg:$0x1] =	wrdreg $0xFFFFFFFF  }
0x1f: {  	s28 =	simm.s32 $_size_execute0_lowered;
	s3 =	sadd.s32 s3, s5;
	[dreg:$0x0] =	wrdreg $0x0  }
0x20: {  	s5 =	sshll.u32 s28, $0x1;
	[dreg:$0x2] =	wrdreg s3  }
0x21: {  	[dreg:$0x3] =	wrdreg s5  }
0x22: {  	[dreg:$0x4] =	wrdreg $0xC0  }
0x23: {  	_ =	task [dreg:s7], $0x5FFFF  }
0x24: {  	[dreg:$0x1] =	wrdreg $0xFFFFFFFF  }
0x25: {  	[dreg:$0x0] =	wrdreg $0x60  }
0x26: {  	[dreg:$0x2] =	wrdreg s25  }
0x27: {  	[dreg:$0x3] =	wrdreg s2  }
0x28: {  	[dreg:$0x4] =	wrdreg $0x9  }
0x29: {  	_ =	task.clear_ibuf [dreg:s7], $0x5FFFF;
	_ =	strace $0x90000049  }
0x2a: {  	s29 =	simm.s32 $0x9;
	_ =	strace $0x8000004B  }
0x2b: {  	_ =	swait.ge [sflag:s29], $0x1  }
0x2c: {  	[sflag:s29] =	ssyncadd.s32 $0xFFFFFFFF  }
0x2d: {  	_ =	strace $0x9000004B  }
0x2e: {  	_ =	sfence  }
0x2f: {  	s30 =	sld [smem:$0x0];
	_ =	sdelay $0x2  }
0x30: {  	s31 =	sshll.u32 s1, $0xD;
	s1 =	sshrl.u32 s1, $0x2  }
0x31: {  	s3 =	sand.u32 $0x4000, s31;
	s1 =	sadd.s32 s1, s30  }
0x32: {  	s0 =	sor.u32 s3, s0;
	s1 =	sshll.u32 s1, $0x11  }
0x33: {  	s0 =	sor.u32 s1, s0  }
0x34: {  	s0 =	sadd.s32 $0x8F2B, s0  }
0x35: {  	[sflag:s0] =	ssyncadd.remote.s32 $0x1  }
0x36: {  	_ =	sfence.sel $0xFFFF  }
0x37: {  	[dreg:$0x0] =	wrdreg $0xFFFFFFFF;
	(pc) =	sbr.abs _section_cstart, $3  }
0x38: {  	[dreg:$0x1] =	wrdreg $0xFFFFFFFF  }
0x39: {  	_ =	task.clear_ibuf [dreg:s7], $0x2FFFF;
	_ =	strace $0x9FFFFFFF  }
0x3a: {  	(tm) =	ssettm $0x7FFFFFFF  }
0x3b: {  	_ =	shalt  }
tec
execute0_lowered:
.L_overlay_start_1:
0x0: {  	(tag) =	ssettag $0x1  }
0x1: {  	s0 =	srdreg.scid  }
0x2: {  	s1 =	sshll.u32 s0, $0x4  }
0x3: {  	s0 =	stileid.u32;
	s1 =	sand.u32 $0x10, s1  }
0x4: {  	s1 =	sor.u32 s0, s1  }
0x5: {  	s6 =	rddreg [dreg:$0x0];
	s4 =	simm.s32 $0x1;
	s2 =	sshll.u32 s1, $0x7  }
0x6: {  	s7 =	simm.s32 $0x2;
	s12 =	simm.s32 $0x0;
	s1 =	ssub.s32 $0x1000, s2  }
0x7: {  	s8 =	simm.s32 $0x8000;
	s13 =	simm.s32 $0x0;
	s3 =	sand.u32 $0xF80, s1  }
0x8: {  	s9 =	simm.s32 $0x0;
	s5 =	sshrl.u32 s1, $0xC;
	p0 =	sne.s32 s3, $0x0  }
.Ltmp0:
0x9: {  	s1 =	rddreg [dreg:$0x2];
	s4 =	simm.s32 @!p0 $0x0;
	(pc) =	sbr.rel .LBB1_1-.Ltmp0, $4  }
0xa: {  	s11 =	simm.s32 $0x0;
	s3 =	rddreg [dreg:$0x1];
	s5 =	sadd.s32 s4, s5  }
0xb: {  	_ =	strace $0x8000004A;
	s4 =	simm.s32 $0x1;
	s5 =	smul.u32 $0xC8, s5  }
0xc: {  	s6 =	sadd.s32 $0xA00, s6;
	s10 =	smov.u32 s2;
	[sflag:s4] =	ssyncpa.u1 $0x0  }
0xd: {  	p0 =	por $0x0, $0x0;
	[sflag:s7] =	ssyncpa.u1 $0x0;
	s7 =	sor.u32 $0x1, s5  }
.LBB1_4:
0xe: {  	s16 =	sshll.u32 s13, $0x3;
	s17 =	sand.u32 $0x78, s13  }
0xf: {  	s30 =	sand.u32 $0x7E00, s13;
	s12 =	sshll.u32 s12, $0xF;
	s16 =	sand.u32 $0xC00, s16  }
0x10: {  	[tilespmem:s15+$0x810 ss:$0x81] =	vst.msk $0xffff, v2;
	s31 =	sand.u32 $0x7, s13;
	s16 =	sor.u32 s17, s16;
	s17 =	sadd.s32 s3, s30  }
0x11: {  	[tilespmem:s15+$0x1020 ss:$0x81] =	vst.msk $0xffff, v0;
	s13 =	sshll.u32 s31, $0x12;
	s12 =	sadd.s32 s12, s17;
	s16 =	sshrl.u32 s16, $0x3  }
0x12: {  	[tilespmem:s15+$0x0 ss:$0x81] =	vst.msk $0xffff, v1;
	s13 =	sor.u32 $0x400, s13;
	s12 =	sadd.s32 s16, s12  }
0x13: {  	[hbm4b:s12+s13] =	stream.strided.scatter [tilespmem:s14], [sflag:$0x2], $0x2000, s8, s13, $0x20;
	[tilespmem:$0x8080] =	vst v63  }
.LBB1_5:
0x14: {  	s14 =	sadd.s32 $0x1, s9  }
0x15: {  	s12 =	sadd.s32 $0x1000, s10;
	s16 =	smov.u32 s10;
	p2 =	sgt.s32 s14, $0xC7  }
0x16: {  	s16 =	smov.u32 @p2 s12  }
0x17: {  	s14 =	simm.s32 @p2 $0x0;
	p2 =	sgt.s32 s16, $0xFFF  }
0x18: {  	s16 =	smov.u32 @p2 s2;
	p2 =	sne.s32 s11, s7  }
.Ltmp1:
0x19: {  	p1 =	slt.u32 s11, $0x2;
	(pc) =	sbr.rel @!p2 .LBB1_6-.Ltmp1, $4  }
0x1a: {  	s15 =	simm.s32 @!p1 $0x2  }
0x1b: {  	s13 =	smov.u32 s10;
	p0 =	por !p0, !p0;
	_ =	swait.ge @!p1 [sflag:s15], $0x2000  }
0x1c: {  	s12 =	smov.u32 s9;
	[sflag:s15] =	ssyncset.done @!p1 $0x0;
	s9 =	smov.u32 s14  }
0x1d: {  	s11 =	sadd.s32 $0x1, s11;
	[sflag:s15] =	ssyncadd.s32 @!p1 $0xFFFFE000;
	s10 =	smov.u32 s16  }
.LBB1_1:
0x1e: {  	p1 =	sge.u32 s11, s5  }
0x1f: {  	s14 =	sand.u32 @!p1 $0x1FFFFFF, s9  }
0x20: {  	s15 =	smulhi.u32 @!p1 $0x147AE15, s14;
	_ =	sdelay $0x1  }
0x21: {  	s15 =	smul.u32 @!p1 $0xC8, s15  }
0x22: {  	s16 =	sxor.u32 @!p1 $0xFFFFFFFF, s11;
	s17 =	smul.u32 @!p1 $0xC80, s10  }
0x23: {  	s31 =	sadd.s32 $0xFFFFFFFF, s11;
	s16 =	sshll.u32 @!p1 s16, $0xD;
	s14 =	ssub.s32 @!p1 s14, s15  }
0x24: {  	s15 =	sand.u32 @!p1 $0x2000, s16;
	s16 =	sadd.s32 @!p1 s6, s17;
	s14 =	sshll.u32 @!p1 s14, $0x4  }
0x25: {  	s17 =	simm.s32 @!p1 $0x6400;
	s14 =	sadd.s32 @!p1 s14, s16;
	s16 =	simm.s32 @!p1 $0x40  }
0x26: {  	[tilespmem:s15], [sflag:$0x1] =	stream.strided.gather @!p1 [hbm4b:s14+s16], $0x2000, s17, s16, $0x38;
	[tilespmem:$0x8080] =	vst v63  }
0x27: {  	p1 =	sge.u32 s31, s5  }
.Ltmp2:
0x28: {  	_ = 	snop;
	(pc) =	sbr.rel @p1 .LBB1_5-.Ltmp2, $1  }
0x29: {  	_ =	sdelay $0x3  }
0x2a: {  	s14 =	simm.s32 $0x1  }
0x2b: {  	_ =	swait.ge [sflag:s4], $0x2000;
	s14 =	simm.s32 @!p0 $0x0  }
0x2c: {  	[sflag:s4] =	ssyncset.done $0x0;
	s15 =	sshll.u32 s14, $0xD  }
0x2d: {  	[sflag:s4] =	ssyncadd.s32 $0xFFFFE000;
	s18 =	sor.u32 $0x20, s15  }
0x2e: {  	s14 =	smul.u32 $0x8100, s14;
	v3 =	vld [tilespmem:s18+$0x10]  }
0x2f: {  	s30 =	sand.u32 $0x1, s11;
	v2 =	vld [tilespmem:s18+$0xFFFFFFF0]  }
0x30: {  	s15 =	smul.u32 $0x8100, s30;
	s14 =	sshrl.u32 s14, $0x2;
	v0 =	vld [tilespmem:s18+$0x0]  }
0x31: {  	v1 =	vld [tilespmem:s18+$0xFFFFFFE0];
	s16 =	sor.u32 $0x4000, s14  }
0x32: {  	s31 =	sshrl.u32 s15, $0x2;
	s15 =	sadd.s32 $0x0, s16  }
0x33: {  	s17 =	simm.s32 $0x4;
	s18 =	sadd.s32 $0x40, s18;
	s14 =	sor.u32 $0x4000, s31;
	[tilespmem:s15+$0x1830 ss:$0x81] =	vst.msk $0xffff, v3  }
.LBB1_3:
0x34: {  	v3 =	vld [tilespmem:s18+$0x10];
	p1 =	sne.s32 s17, $0x1FC;
	[tilespmem:s15+$0x810 ss:$0x81] =	vst.msk $0xffff, v2;
	s19 =	smov.u32 s17;
	s17 =	sadd.s32 $0x4, s17  }
.Ltmp3:
0x35: {  	v2 =	vld [tilespmem:s18+$0xFFFFFFF0];
	[tilespmem:s15+$0x1020 ss:$0x81] =	vst.msk $0xffff, v0;
	(pc) =	sbr.rel @p1 .LBB1_3-.Ltmp3, $4  }
0x36: {  	v0 =	vld [tilespmem:s18+$0x0];
	[tilespmem:s15+$0x0 ss:$0x81] =	vst.msk $0xffff, v1  }
0x37: {  	s15 =	sshra.s32 s19, $0x2;
	v1 =	vld [tilespmem:s18+$0xFFFFFFE0]  }
0x38: {  	s15 =	sadd.s32 s15, s16  }
0x39: {  	s18 =	sadd.s32 $0x40, s18;
	[tilespmem:s15+$0x1830 ss:$0x81] =	vst.msk $0xffff, v3  }
.Ltmp4:
0x3a: {  	_ = 	snop;
	(pc) =	sbr.rel .LBB1_4-.Ltmp4, $1  }
0x3b: {  	_ =	sdelay $0x3  }
.LBB1_6:
0x3c: {  	_ =	sfence.sel $0x180000  }
0x3d: {  	s2 =	simm.s32 $0x1;
	[bflag:$0x0] =	sbarrier.arrive $0xFFFF  }
0x3e: {  	s31 =	simm.s32 $0x2;
	[sflag:s2] =	ssyncpa.u1 $0x1  }
0x3f: {  	[sflag:s31] =	ssyncpa.u1 $0x1  }
0x40: {  	p0 =	sne.s32 s0, $0x0;
	_ =	strace $0x9000004A  }
0x41: {  	s0 =	sadd.s32 @!p0 $0x100000, s1;
	[bflag:$0x2] =	sbarrier.arrive $0xFFFF  }
0x42: {  	[sflag:s0] =	ssyncadd.tile.s32 @!p0 $0x1;
	_ =	shalt  }
.Lfunc_end1:
_tile_overlayer_lowered:
.L_overlay_start_2:
0x43: {  	(tag) =	ssettag $0x2  }
0x44: {  	s0 =	rddreg [dreg:$0x0];
	s2 =	stileid.u32  }
0x45: {  	s1 =	rddreg [dreg:$0x1];
	p0 =	sne.s32 s2, $0x0  }
0x46: {  	s3 =	rddreg [dreg:$0x2];
	[bflag:$0x3] =	sbarrier.arrive $0xFFFF;
	s2 =	simm.s32 @!p0 $0x1C01  }
0x47: {  	[timem:s3], [sflag:s2] =	dma.local @!p0 [hbm:s0], s1  }
0x48: {  	s0 =	simm.s32 @!p0 $0x1  }
0x49: {  	_ =	swait.ge @!p0 [sflag:s0], s1  }
0x4a: {  	s1 =	ssub.s32 @!p0 $0x0, s1;
	[sflag:s0] =	ssyncset.done @!p0 $0x0  }
0x4b: {  	[sflag:s0] =	ssyncadd.s32 @!p0 s1  }
0x4c: {  	[bflag:$0x3] =	sbarrier.arrive $0xFFFF  }
0x4d: {  	_ =	shalt  }

</sc_bundles>
